<compile_context>
chip_gen: v7x
topology: tpu7x:2x2x1
jax: 0.10.2.dev20260603
libtpu: 0.0.44.dev20260713+nightly
codegen_flags: <defaults>
</compile_context>

<pallas_src>
import functools

import jax
import jax.numpy as jnp
from jax import lax
from jax.experimental import pallas as pl
from jax.experimental.pallas import tpu as pltpu
from jax.experimental.pallas import tpu_sc as plsc

_N = 65536
_K = 512
_W = 16
_NC = 2
_NS = 16
_NW = _NC * _NS
_PPW = _N // _NW
_CHUNK = 128
_NCHUNK = _PPW // _CHUNK
_L = 16

_BP = 2048
_NB = _N // _BP


_sc_mesh = plsc.VectorSubcoreMesh(core_axis_name="c", subcore_axis_name="s")


@functools.partial(
    pl.kernel,
    out_type=jax.ShapeDtypeStruct((_NC, _K, _W), jnp.float32),
    mesh=_sc_mesh,
    scratch_types=[
        pltpu.VMEM((_PPW,), jnp.float32),
        pltpu.VMEM((_PPW,), jnp.float32),
        pltpu.VMEM((_PPW, _W), jnp.float32),
        pltpu.VMEM((_PPW,), jnp.int32),
        pltpu.VMEM((_NCHUNK, _CHUNK), jnp.int32),
        pltpu.VMEM_SHARED((_K, _W), jnp.float32),
        pltpu.SemaphoreType.DMA,
    ],
    compiler_params=pltpu.CompilerParams(
        use_tc_tiling_on_sc=False, needs_layout_passes=False
    ),
)
def _sc_segsum(vt_hbm, idx_hbm, zero_hbm, part_hbm,
               vx_v, vy_v, aug_v, idxf_v, idx_v, acc_sh, sem):
    c = lax.axis_index("c")
    s = lax.axis_index("s")
    w = c * _NS + s
    base = w * _PPW
    cp1 = pltpu.async_copy(vt_hbm.at[0, pl.ds(base, _PPW)], vx_v, sem)
    cp2 = pltpu.async_copy(vt_hbm.at[1, pl.ds(base, _PPW)], vy_v, sem)
    cp3 = pltpu.async_copy(idx_hbm.at[pl.ds(base, _PPW)], idxf_v, sem)
    cp1.wait()
    cp2.wait()
    cp3.wait()
    @pl.when(s == 0)
    def _():
        pltpu.sync_copy(zero_hbm, acc_sh)

    ids = lax.iota(jnp.int32, _L)
    col0 = jnp.zeros((_L,), jnp.int32)
    col1 = jnp.full((_L,), 1, jnp.int32)
    col2 = jnp.full((_L,), 2, jnp.int32)
    ones = jnp.full((_L,), 1.0, jnp.float32)

    def build_body(i, carry):
        rows = ids + i * _L
        plsc.store_scatter(aug_v, [rows, col0], vx_v[pl.ds(i * _L, _L)])
        plsc.store_scatter(aug_v, [rows, col1], vy_v[pl.ds(i * _L, _L)])
        plsc.store_scatter(aug_v, [rows, col2], ones)
        idx_v[lax.shift_right_logical(i, 3), pl.ds(lax.bitwise_and(i, 7) * _L, _L)] = (
            idxf_v[pl.ds(i * _L, _L)]
        )
        return carry

    lax.fori_loop(0, _PPW // _L, build_body, 0)

    plsc.subcore_barrier()
    cps = [
        pltpu.async_copy(
            aug_v.at[pl.ds(j * _CHUNK, _CHUNK)],
            acc_sh.at[idx_v.at[j]],
            sem,
            add=True,
        )
        for j in range(_NCHUNK)
    ]
    for cp in cps:
        cp.wait()
    plsc.subcore_barrier()
    @pl.when(s == 0)
    def _():
        pltpu.sync_copy(acc_sh, part_hbm.at[c])


_R = 8
_NR = _K // _R


def _tc_body(partials_ref, vt_ref, cent_ref, assign_ref, cxy_s):
    i = pl.program_id(0)

    @pl.when(i == 0)
    def _():
        psum = partials_ref[0, :, :] + partials_ref[1, :, :]
        cnt = psum[:, 2:3]
        c01 = jnp.concatenate([psum[:, 0:1] / cnt, psum[:, 1:2] / cnt], axis=1)
        cxy_s[...] = c01
        cent_ref[...] = c01

    cx = cxy_s[:, 0:1]
    cy = cxy_s[:, 1:2]
    vx = vt_ref[0:1, :]
    vy = vt_ref[1:2, :]
    riota = lax.broadcasted_iota(jnp.int32, (_R, 1), 0).astype(jnp.float32)
    m = jnp.full((_R, _BP), jnp.inf, jnp.float32)
    bi = jnp.zeros((_R, _BP), jnp.float32)
    for j in range(_NR):
        cxj = cx[j * _R:(j + 1) * _R, :]
        cyj = cy[j * _R:(j + 1) * _R, :]
        dx = vx - cxj
        dy = vy - cyj
        d = dx * dx + dy * dy
        better = d < m
        m = jnp.where(better, d, m)
        bi = jnp.where(better, riota + jnp.float32(j * _R), bi)
    m_all = jnp.min(m, axis=0, keepdims=True)
    idx = jnp.min(jnp.where(m == m_all, bi, jnp.float32(_K)), axis=0)
    assign_ref[...] = idx.astype(jnp.int32)


_tc_assign = pl.pallas_call(
    _tc_body,
    grid=(_NB,),
    in_specs=[
        pl.BlockSpec((_NC, _K, _W), lambda i: (0, 0, 0)),
        pl.BlockSpec((2, _BP), lambda i: (0, i)),
    ],
    out_specs=[
        pl.BlockSpec((_K, 2), lambda i: (0, 0)),
        pl.BlockSpec((_BP,), lambda i: (i,)),
    ],
    out_shape=[
        jax.ShapeDtypeStruct((_K, 2), jnp.float32),
        jax.ShapeDtypeStruct((_N,), jnp.int32),
    ],
    scratch_shapes=[pltpu.VMEM((_K, 2), jnp.float32)],
)


def kernel(vectors, centroids, assignment):
    del centroids
    zero = jnp.zeros((_K, _W), jnp.float32)
    vt = vectors.T
    partials = _sc_segsum(vt, assignment, zero)
    cent, a2 = _tc_assign(partials, vt)
    return cent, a2

# --- scband reference (transcript-rebuilt; emitter-appended) ---
"""Pipeline reference for scband-model-14723147891036 (READ-ONLY COPY).

The authoritative reference and input builder live on the scoring server;
editing this copy changes nothing except your own understanding.
"""

import jax, jax.numpy as jnp
import numpy as np

NUM_POINTS = 65536
NUM_CLUSTERS = 512


def setup_inputs(seed: int = 0) -> dict:
    key = jax.random.key(seed)
    k1, k2, k3, k4 = jax.random.split(key, 4)
    # mirror the TF init: two gaussian blobs, shuffled
    vec_a = jax.random.normal(k1, (NUM_POINTS // 2, 2), dtype=jnp.float32) * 0.9
    vec_b = jax.random.normal(k2, (NUM_POINTS // 2, 2), dtype=jnp.float32) * 0.5 + jnp.array([3.0, 1.0], dtype=jnp.float32)
    vectors = jax.random.permutation(k3, jnp.concatenate([vec_a, vec_b], axis=0))
    centroids = vectors[:NUM_CLUSTERS, :]
    assignment = jax.random.randint(k4, (NUM_POINTS,), 0, NUM_CLUSTERS, dtype=jnp.int32)
    return {"vectors": vectors, "centroids": centroids, "assignment": assignment}


def reference(vectors, centroids, assignment):
    # --- update_centroids: per-cluster mean of vectors by current assignment ---
    # (tf.where/tf.gather/reduce_mean loop over clusters == segment mean)
    sums = jax.ops.segment_sum(vectors, assignment, num_segments=NUM_CLUSTERS)
    counts = jax.ops.segment_sum(jnp.ones((vectors.shape[0],), dtype=vectors.dtype), assignment, num_segments=NUM_CLUSTERS)
    new_centroids = jnp.reshape(sums / counts[:, None], (NUM_CLUSTERS, 2))
    # --- update_labels: squared euclidean distance, argmin over clusters ---
    expanded_vectors = jnp.expand_dims(vectors, 0)          # [1, N, 2]
    expanded_centroids = jnp.expand_dims(new_centroids, 1)  # [K, 1, 2]
    difference = expanded_vectors - expanded_centroids      # [K, N, 2]
    distances = jnp.sum(jnp.square(difference), axis=2)     # [K, N]
    new_assignment = jnp.argmin(distances, axis=0)          # [N]
    return new_centroids, new_assignment

if __name__ == "__main__":
    import jax
    _d = setup_inputs()
    print(jax.jit(kernel)(*tuple(_d.values())))

</pallas_src>

<mosaic_0001>
#map = affine_map<(d0, d1) -> (0, 0)>
#map1 = affine_map<(d0, d1) -> (0)>
#map2 = affine_map<(d0, d1) -> (0, 0, 0)>
module attributes {stable_mosaic.version = 14 : i64} {
  func.func @_sc_segsum(%arg0: i32, %arg1: i32, %arg2: memref<2x65536xf32, #tpu.memory_space<hbm>>, %arg3: memref<65536xi32, #tpu.memory_space<hbm>>, %arg4: memref<512x16xf32, #tpu.memory_space<hbm>>, %arg5: memref<2x512x16xf32, #tpu.memory_space<hbm>>, %arg6: memref<2048xf32, #tpu.memory_space<vmem>>, %arg7: memref<2048xf32, #tpu.memory_space<vmem>>, %arg8: memref<2048x16xf32, #tpu.memory_space<vmem>>, %arg9: memref<2048xi32, #tpu.memory_space<vmem>>, %arg10: memref<16x128xi32, #tpu.memory_space<vmem>>, %arg11: memref<512x16xf32, #tpu.memory_space<vmem_shared>>, %arg12: memref<!tpu.dma_semaphore, #tpu.memory_space<semaphore_mem>>) attributes {dimension_semantics = [#tpu.dimension_semantics<core_parallel>, #tpu.dimension_semantics<subcore_parallel>], iteration_bounds = array<i64: 2, 16>, scalar_prefetch = 0 : i64, scratch_operands = 7 : i64, tpu.core_type = #tpu.core_type<sc_vector_subcore>, window_params = [{transform_indices = #map}, {transform_indices = #map1}, {transform_indices = #map}, {transform_indices = #map2}]} {
    %mul3A = arith.constant 16 : i32
    %mul3A_0 = arith.muli %arg0, %mul3A : i32
    %add3A = arith.addi %mul3A_0, %arg1 : i32
    %mul3A_1 = arith.constant 2048 : i32
    %mul3A_2 = arith.muli %add3A, %mul3A_1 : i32
    %dma_start3A = arith.constant 0 : i32
    %dma_start3A_3 = tpu.memref_slice %arg2[%dma_start3A, %mul3A_2] : memref<2x65536xf32, #tpu.memory_space<hbm>> -> memref<1x2048xf32, #tpu.memory_space<hbm>>
    %dma_start3A_4 = tpu.memref_squeeze %dma_start3A_3 : memref<1x2048xf32, #tpu.memory_space<hbm>> -> memref<2048xf32, #tpu.memory_space<hbm>>
    %dma_start3A_5 = tpu.memref_slice %arg2[%dma_start3A, %mul3A_2] : memref<2x65536xf32, #tpu.memory_space<hbm>> -> memref<1x2048xf32, #tpu.memory_space<hbm>>
    %dma_start3A_6 = tpu.memref_squeeze %dma_start3A_5 : memref<1x2048xf32, #tpu.memory_space<hbm>> -> memref<2048xf32, #tpu.memory_space<hbm>>
    tpu.enqueue_dma source(%dma_start3A_6 : memref<2048xf32, #tpu.memory_space<hbm>>) target(%arg6 : memref<2048xf32, #tpu.memory_space<vmem>>) target_semaphore(%arg12 : memref<!tpu.dma_semaphore, #tpu.memory_space<semaphore_mem>>)
    %dma_start3A_7 = arith.constant 1 : i32
    %dma_start3A_8 = tpu.memref_slice %arg2[%dma_start3A_7, %mul3A_2] : memref<2x65536xf32, #tpu.memory_space<hbm>> -> memref<1x2048xf32, #tpu.memory_space<hbm>>
    %dma_start3A_9 = tpu.memref_squeeze %dma_start3A_8 : memref<1x2048xf32, #tpu.memory_space<hbm>> -> memref<2048xf32, #tpu.memory_space<hbm>>
    %dma_start3A_10 = tpu.memref_slice %arg2[%dma_start3A_7, %mul3A_2] : memref<2x65536xf32, #tpu.memory_space<hbm>> -> memref<1x2048xf32, #tpu.memory_space<hbm>>
    %dma_start3A_11 = tpu.memref_squeeze %dma_start3A_10 : memref<1x2048xf32, #tpu.memory_space<hbm>> -> memref<2048xf32, #tpu.memory_space<hbm>>
    tpu.enqueue_dma source(%dma_start3A_11 : memref<2048xf32, #tpu.memory_space<hbm>>) target(%arg7 : memref<2048xf32, #tpu.memory_space<vmem>>) target_semaphore(%arg12 : memref<!tpu.dma_semaphore, #tpu.memory_space<semaphore_mem>>)
    %dma_start3A_12 = tpu.memref_slice %arg3[%mul3A_2] : memref<65536xi32, #tpu.memory_space<hbm>> -> memref<2048xi32, #tpu.memory_space<hbm>>
    %dma_start3A_13 = tpu.memref_slice %arg3[%mul3A_2] : memref<65536xi32, #tpu.memory_space<hbm>> -> memref<2048xi32, #tpu.memory_space<hbm>>
    tpu.enqueue_dma source(%dma_start3A_13 : memref<2048xi32, #tpu.memory_space<hbm>>) target(%arg9 : memref<2048xi32, #tpu.memory_space<vmem>>) target_semaphore(%arg12 : memref<!tpu.dma_semaphore, #tpu.memory_space<semaphore_mem>>)
    %dma_wait3A = arith.constant 0 : i32
    %dma_wait3A_14 = tpu.memref_slice %arg2[%dma_wait3A, %mul3A_2] : memref<2x65536xf32, #tpu.memory_space<hbm>> -> memref<1x2048xf32, #tpu.memory_space<hbm>>
    %dma_wait3A_15 = tpu.memref_squeeze %dma_wait3A_14 : memref<1x2048xf32, #tpu.memory_space<hbm>> -> memref<2048xf32, #tpu.memory_space<hbm>>
    %dma_wait3A_16 = tpu.memref_slice %arg2[%dma_wait3A, %mul3A_2] : memref<2x65536xf32, #tpu.memory_space<hbm>> -> memref<1x2048xf32, #tpu.memory_space<hbm>>
    %dma_wait3A_17 = tpu.memref_squeeze %dma_wait3A_16 : memref<1x2048xf32, #tpu.memory_space<hbm>> -> memref<2048xf32, #tpu.memory_space<hbm>>
    tpu.wait_dma2 semaphore(%arg12 : memref<!tpu.dma_semaphore, #tpu.memory_space<semaphore_mem>>) src(%dma_wait3A_17 : memref<2048xf32, #tpu.memory_space<hbm>>) dst(%arg6 : memref<2048xf32, #tpu.memory_space<vmem>>)
    %dma_wait3A_18 = arith.constant 1 : i32
    %dma_wait3A_19 = tpu.memref_slice %arg2[%dma_wait3A_18, %mul3A_2] : memref<2x65536xf32, #tpu.memory_space<hbm>> -> memref<1x2048xf32, #tpu.memory_space<hbm>>
    %dma_wait3A_20 = tpu.memref_squeeze %dma_wait3A_19 : memref<1x2048xf32, #tpu.memory_space<hbm>> -> memref<2048xf32, #tpu.memory_space<hbm>>
    %dma_wait3A_21 = tpu.memref_slice %arg2[%dma_wait3A_18, %mul3A_2] : memref<2x65536xf32, #tpu.memory_space<hbm>> -> memref<1x2048xf32, #tpu.memory_space<hbm>>
    %dma_wait3A_22 = tpu.memref_squeeze %dma_wait3A_21 : memref<1x2048xf32, #tpu.memory_space<hbm>> -> memref<2048xf32, #tpu.memory_space<hbm>>
    tpu.wait_dma2 semaphore(%arg12 : memref<!tpu.dma_semaphore, #tpu.memory_space<semaphore_mem>>) src(%dma_wait3A_22 : memref<2048xf32, #tpu.memory_space<hbm>>) dst(%arg7 : memref<2048xf32, #tpu.memory_space<vmem>>)
    %dma_wait3A_23 = tpu.memref_slice %arg3[%mul3A_2] : memref<65536xi32, #tpu.memory_space<hbm>> -> memref<2048xi32, #tpu.memory_space<hbm>>
    %dma_wait3A_24 = tpu.memref_slice %arg3[%mul3A_2] : memref<65536xi32, #tpu.memory_space<hbm>> -> memref<2048xi32, #tpu.memory_space<hbm>>
    tpu.wait_dma2 semaphore(%arg12 : memref<!tpu.dma_semaphore, #tpu.memory_space<semaphore_mem>>) src(%dma_wait3A_24 : memref<2048xi32, #tpu.memory_space<hbm>>) dst(%arg9 : memref<2048xi32, #tpu.memory_space<vmem>>)
    %eq3A = arith.constant 0 : i32
    %eq3A_25 = arith.cmpi eq, %arg1, %eq3A : i32
    %convert_element_type3A = arith.extui %eq3A_25 : i1 to i32
    %cond3A = arith.constant 0 : i32
    %cond3A_26 = arith.cmpi ne, %convert_element_type3A, %cond3A : i32
    scf.if %cond3A_26 {
      "tpu.region"() ({
        %run_scoped3A = tpu.sem_alloc : memref<!tpu.dma_semaphore, #tpu.memory_space<semaphore_mem>>
        tpu.enqueue_dma source(%arg4 : memref<512x16xf32, #tpu.memory_space<hbm>>) target(%arg11 : memref<512x16xf32, #tpu.memory_space<vmem_shared>>) target_semaphore(%run_scoped3A : memref<!tpu.dma_semaphore, #tpu.memory_space<semaphore_mem>>)
        tpu.wait_dma2 semaphore(%run_scoped3A : memref<!tpu.dma_semaphore, #tpu.memory_space<semaphore_mem>>) src(%arg4 : memref<512x16xf32, #tpu.memory_space<hbm>>) dst(%arg11 : memref<512x16xf32, #tpu.memory_space<vmem_shared>>)
        tpu.yield
      }) : () -> ()
    } else {
    }
    %iota3A = tpu.iota {dimensions = array<i32: 0>} : vector<16xi32>
    %broadcast_in_dim3A = arith.constant 0 : i32
    %broadcast_in_dim3A_27 = vector.broadcast %broadcast_in_dim3A : i32 to vector<16xi32>
    %broadcast_in_dim3A_28 = arith.constant 1 : i32
    %broadcast_in_dim3A_29 = vector.broadcast %broadcast_in_dim3A_28 : i32 to vector<16xi32>
    %broadcast_in_dim3A_30 = arith.constant 2 : i32
    %broadcast_in_dim3A_31 = vector.broadcast %broadcast_in_dim3A_30 : i32 to vector<16xi32>
    %broadcast_in_dim3A_32 = arith.constant 1.000000e+00 : f32
    %broadcast_in_dim3A_33 = vector.broadcast %broadcast_in_dim3A_32 : f32 to vector<16xf32>
    %scan3A = arith.constant 0 : i32
    %scan3A_34 = arith.constant 0 : i32
    %scan3A_35 = arith.constant 128 : i32
    %scan3A_36 = arith.addi %scan3A_34, %scan3A_35 : i32
    %scan3A_37 = arith.constant 1 : i32
    scf.for %scan3A_365 = %scan3A_34 to %scan3A_36 step %scan3A_37  : i32 {
      %mul3A_366 = arith.constant 16 : i32
      %mul3A_367 = arith.muli %scan3A_365, %mul3A_366 : i32
      %add3A_368 = vector.broadcast %mul3A_367 : i32 to vector<16xi32>
      %add3A_369 = arith.addi %iota3A, %add3A_368 : vector<16xi32>
      %mul3A_370 = arith.constant 16 : i32
      %mul3A_371 = arith.muli %scan3A_365, %mul3A_370 : i32
      %get3A = arith.index_cast %mul3A_371 : i32 to index
      %get3A_372 = tpu.vector_load %arg6[%get3A] {strides = array<i32>} : memref<2048xf32, #tpu.memory_space<vmem>>, vector<16xf32>,
      tpu.vector_store_idx %arg8[%add3A_369, %broadcast_in_dim3A_27], %get3A_372 : memref<2048x16xf32, #tpu.memory_space<vmem>>[vector<16xi32>, vector<16xi32>], vector<16xf32>,
      %mul3A_373 = arith.constant 16 : i32
      %mul3A_374 = arith.muli %scan3A_365, %mul3A_373 : i32
      %get3A_375 = arith.index_cast %mul3A_374 : i32 to index
      %get3A_376 = tpu.vector_load %arg7[%get3A_375] {strides = array<i32>} : memref<2048xf32, #tpu.memory_space<vmem>>, vector<16xf32>,
      tpu.vector_store_idx %arg8[%add3A_369, %broadcast_in_dim3A_29], %get3A_376 : memref<2048x16xf32, #tpu.memory_space<vmem>>[vector<16xi32>, vector<16xi32>], vector<16xf32>,
      tpu.vector_store_idx %arg8[%add3A_369, %broadcast_in_dim3A_31], %broadcast_in_dim3A_33 : memref<2048x16xf32, #tpu.memory_space<vmem>>[vector<16xi32>, vector<16xi32>], vector<16xf32>,
      %mul3A_377 = arith.constant 16 : i32
      %mul3A_378 = arith.muli %scan3A_365, %mul3A_377 : i32
      %get3A_379 = arith.index_cast %mul3A_378 : i32 to index
      %get3A_380 = tpu.vector_load %arg9[%get3A_379] {strides = array<i32>} : memref<2048xi32, #tpu.memory_space<vmem>>, vector<16xi32>,
      %shift_right_logical3A = arith.constant 3 : i32
      %shift_right_logical3A_381 = arith.shrui %scan3A_365, %shift_right_logical3A : i32
      %and3A = arith.constant 7 : i32
      %and3A_382 = arith.andi %scan3A_365, %and3A : i32
      %mul3A_383 = arith.constant 16 : i32
      %mul3A_384 = arith.muli %and3A_382, %mul3A_383 : i32
      %swap3A = arith.index_cast %shift_right_logical3A_381 : i32 to index
      %swap3A_385 = arith.index_cast %mul3A_384 : i32 to index
      %swap3A_386 = tpu.vector_load %arg10[%swap3A, %swap3A_385] {strides = array<i32>} : memref<16x128xi32, #tpu.memory_space<vmem>>, vector<16xi32>,
      tpu.vector_store %arg10[%swap3A, %swap3A_385], %get3A_380 {strides = array<i32>} : memref<16x128xi32, #tpu.memory_space<vmem>>, vector<16xi32>,
    }
    %scan3A_38 = arith.constant 128 : i32
    %barrier3A = arith.constant 0 : index
    tpu.barrier barrier_id(%barrier3A)
    %dma_start3A_39 = arith.constant 0 : i32
    %dma_start3A_40 = arith.constant 0 : i32
    %dma_start3A_41 = arith.constant 0 : i32
    %dma_start3A_42 = tpu.memref_slice %arg8[%dma_start3A_40, %dma_start3A_41] : memref<2048x16xf32, #tpu.memory_space<vmem>> -> memref<128x16xf32, #tpu.memory_space<vmem>>
    %dma_start3A_43 = arith.constant 0 : i32
    %dma_start3A_44 = tpu.memref_slice %arg10[%dma_start3A_39, %dma_start3A_43] : memref<16x128xi32, #tpu.memory_space<vmem>> -> memref<1x128xi32, #tpu.memory_space<vmem>>
    %dma_start3A_45 = tpu.memref_squeeze %dma_start3A_44 : memref<1x128xi32, #tpu.memory_space<vmem>> -> memref<128xi32, #tpu.memory_space<vmem>>
    %dma_start3A_46 = arith.constant 0 : i32
    %dma_start3A_47 = arith.constant 0 : i32
    %dma_start3A_48 = tpu.memref_slice %arg11[%dma_start3A_46, %dma_start3A_47] : memref<512x16xf32, #tpu.memory_space<vmem_shared>> -> memref<512x16xf32, #tpu.memory_space<vmem_shared>>
    tpu.enqueue_indirect_dma source(%dma_start3A_42 : memref<128x16xf32, #tpu.memory_space<vmem>>) target(%dma_start3A_48 : memref<512x16xf32, #tpu.memory_space<vmem_shared>>) offsets(%dma_start3A_45 : memref<128xi32, #tpu.memory_space<vmem>>) semaphore(%arg12 : memref<!tpu.dma_semaphore, #tpu.memory_space<semaphore_mem>>) {add = true}
    %dma_start3A_49 = arith.constant 1 : i32
    %dma_start3A_50 = arith.constant 128 : i32
    %dma_start3A_51 = arith.constant 0 : i32
    %dma_start3A_52 = tpu.memref_slice %arg8[%dma_start3A_50, %dma_start3A_51] : memref<2048x16xf32, #tpu.memory_space<vmem>> -> memref<128x16xf32, #tpu.memory_space<vmem>>
    %dma_start3A_53 = arith.constant 0 : i32
    %dma_start3A_54 = tpu.memref_slice %arg10[%dma_start3A_49, %dma_start3A_53] : memref<16x128xi32, #tpu.memory_space<vmem>> -> memref<1x128xi32, #tpu.memory_space<vmem>>
    %dma_start3A_55 = tpu.memref_squeeze %dma_start3A_54 : memref<1x128xi32, #tpu.memory_space<vmem>> -> memref<128xi32, #tpu.memory_space<vmem>>
    %dma_start3A_56 = arith.constant 0 : i32
    %dma_start3A_57 = arith.constant 0 : i32
    %dma_start3A_58 = tpu.memref_slice %arg11[%dma_start3A_56, %dma_start3A_57] : memref<512x16xf32, #tpu.memory_space<vmem_shared>> -> memref<512x16xf32, #tpu.memory_space<vmem_shared>>
    tpu.enqueue_indirect_dma source(%dma_start3A_52 : memref<128x16xf32, #tpu.memory_space<vmem>>) target(%dma_start3A_58 : memref<512x16xf32, #tpu.memory_space<vmem_shared>>) offsets(%dma_start3A_55 : memref<128xi32, #tpu.memory_space<vmem>>) semaphore(%arg12 : memref<!tpu.dma_semaphore, #tpu.memory_space<semaphore_mem>>) {add = true}
    %dma_start3A_59 = arith.constant 2 : i32
    %dma_start3A_60 = arith.constant 256 : i32
    %dma_start3A_61 = arith.constant 0 : i32
    %dma_start3A_62 = tpu.memref_slice %arg8[%dma_start3A_60, %dma_start3A_61] : memref<2048x16xf32, #tpu.memory_space<vmem>> -> memref<128x16xf32, #tpu.memory_space<vmem>>
    %dma_start3A_63 = arith.constant 0 : i32
    %dma_start3A_64 = tpu.memref_slice %arg10[%dma_start3A_59, %dma_start3A_63] : memref<16x128xi32, #tpu.memory_space<vmem>> -> memref<1x128xi32, #tpu.memory_space<vmem>>
    %dma_start3A_65 = tpu.memref_squeeze %dma_start3A_64 : memref<1x128xi32, #tpu.memory_space<vmem>> -> memref<128xi32, #tpu.memory_space<vmem>>
    %dma_start3A_66 = arith.constant 0 : i32
    %dma_start3A_67 = arith.constant 0 : i32
    %dma_start3A_68 = tpu.memref_slice %arg11[%dma_start3A_66, %dma_start3A_67] : memref<512x16xf32, #tpu.memory_space<vmem_shared>> -> memref<512x16xf32, #tpu.memory_space<vmem_shared>>
    tpu.enqueue_indirect_dma source(%dma_start3A_62 : memref<128x16xf32, #tpu.memory_space<vmem>>) target(%dma_start3A_68 : memref<512x16xf32, #tpu.memory_space<vmem_shared>>) offsets(%dma_start3A_65 : memref<128xi32, #tpu.memory_space<vmem>>) semaphore(%arg12 : memref<!tpu.dma_semaphore, #tpu.memory_space<semaphore_mem>>) {add = true}
    %dma_start3A_69 = arith.constant 3 : i32
    %dma_start3A_70 = arith.constant 384 : i32
    %dma_start3A_71 = arith.constant 0 : i32
    %dma_start3A_72 = tpu.memref_slice %arg8[%dma_start3A_70, %dma_start3A_71] : memref<2048x16xf32, #tpu.memory_space<vmem>> -> memref<128x16xf32, #tpu.memory_space<vmem>>
    %dma_start3A_73 = arith.constant 0 : i32
    %dma_start3A_74 = tpu.memref_slice %arg10[%dma_start3A_69, %dma_start3A_73] : memref<16x128xi32, #tpu.memory_space<vmem>> -> memref<1x128xi32, #tpu.memory_space<vmem>>
    %dma_start3A_75 = tpu.memref_squeeze %dma_start3A_74 : memref<1x128xi32, #tpu.memory_space<vmem>> -> memref<128xi32, #tpu.memory_space<vmem>>
    %dma_start3A_76 = arith.constant 0 : i32
    %dma_start3A_77 = arith.constant 0 : i32
    %dma_start3A_78 = tpu.memref_slice %arg11[%dma_start3A_76, %dma_start3A_77] : memref<512x16xf32, #tpu.memory_space<vmem_shared>> -> memref<512x16xf32, #tpu.memory_space<vmem_shared>>
    tpu.enqueue_indirect_dma source(%dma_start3A_72 : memref<128x16xf32, #tpu.memory_space<vmem>>) target(%dma_start3A_78 : memref<512x16xf32, #tpu.memory_space<vmem_shared>>) offsets(%dma_start3A_75 : memref<128xi32, #tpu.memory_space<vmem>>) semaphore(%arg12 : memref<!tpu.dma_semaphore, #tpu.memory_space<semaphore_mem>>) {add = true}
    %dma_start3A_79 = arith.constant 4 : i32
    %dma_start3A_80 = arith.constant 512 : i32
    %dma_start3A_81 = arith.constant 0 : i32
    %dma_start3A_82 = tpu.memref_slice %arg8[%dma_start3A_80, %dma_start3A_81] : memref<2048x16xf32, #tpu.memory_space<vmem>> -> memref<128x16xf32, #tpu.memory_space<vmem>>
    %dma_start3A_83 = arith.constant 0 : i32
    %dma_start3A_84 = tpu.memref_slice %arg10[%dma_start3A_79, %dma_start3A_83] : memref<16x128xi32, #tpu.memory_space<vmem>> -> memref<1x128xi32, #tpu.memory_space<vmem>>
    %dma_start3A_85 = tpu.memref_squeeze %dma_start3A_84 : memref<1x128xi32, #tpu.memory_space<vmem>> -> memref<128xi32, #tpu.memory_space<vmem>>
    %dma_start3A_86 = arith.constant 0 : i32
    %dma_start3A_87 = arith.constant 0 : i32
    %dma_start3A_88 = tpu.memref_slice %arg11[%dma_start3A_86, %dma_start3A_87] : memref<512x16xf32, #tpu.memory_space<vmem_shared>> -> memref<512x16xf32, #tpu.memory_space<vmem_shared>>
    tpu.enqueue_indirect_dma source(%dma_start3A_82 : memref<128x16xf32, #tpu.memory_space<vmem>>) target(%dma_start3A_88 : memref<512x16xf32, #tpu.memory_space<vmem_shared>>) offsets(%dma_start3A_85 : memref<128xi32, #tpu.memory_space<vmem>>) semaphore(%arg12 : memref<!tpu.dma_semaphore, #tpu.memory_space<semaphore_mem>>) {add = true}
    %dma_start3A_89 = arith.constant 5 : i32
    %dma_start3A_90 = arith.constant 640 : i32
    %dma_start3A_91 = arith.constant 0 : i32
    %dma_start3A_92 = tpu.memref_slice %arg8[%dma_start3A_90, %dma_start3A_91] : memref<2048x16xf32, #tpu.memory_space<vmem>> -> memref<128x16xf32, #tpu.memory_space<vmem>>
    %dma_start3A_93 = arith.constant 0 : i32
    %dma_start3A_94 = tpu.memref_slice %arg10[%dma_start3A_89, %dma_start3A_93] : memref<16x128xi32, #tpu.memory_space<vmem>> -> memref<1x128xi32, #tpu.memory_space<vmem>>
    %dma_start3A_95 = tpu.memref_squeeze %dma_start3A_94 : memref<1x128xi32, #tpu.memory_space<vmem>> -> memref<128xi32, #tpu.memory_space<vmem>>
    %dma_start3A_96 = arith.constant 0 : i32
    %dma_start3A_97 = arith.constant 0 : i32
    %dma_start3A_98 = tpu.memref_slice %arg11[%dma_start3A_96, %dma_start3A_97] : memref<512x16xf32, #tpu.memory_space<vmem_shared>> -> memref<512x16xf32, #tpu.memory_space<vmem_shared>>
    tpu.enqueue_indirect_dma source(%dma_start3A_92 : memref<128x16xf32, #tpu.memory_space<vmem>>) target(%dma_start3A_98 : memref<512x16xf32, #tpu.memory_space<vmem_shared>>) offsets(%dma_start3A_95 : memref<128xi32, #tpu.memory_space<vmem>>) semaphore(%arg12 : memref<!tpu.dma_semaphore, #tpu.memory_space<semaphore_mem>>) {add = true}
    %dma_start3A_99 = arith.constant 6 : i32
    %dma_start3A_100 = arith.constant 768 : i32
    %dma_start3A_101 = arith.constant 0 : i32
    %dma_start3A_102 = tpu.memref_slice %arg8[%dma_start3A_100, %dma_start3A_101] : memref<2048x16xf32, #tpu.memory_space<vmem>> -> memref<128x16xf32, #tpu.memory_space<vmem>>
    %dma_start3A_103 = arith.constant 0 : i32
    %dma_start3A_104 = tpu.memref_slice %arg10[%dma_start3A_99, %dma_start3A_103] : memref<16x128xi32, #tpu.memory_space<vmem>> -> memref<1x128xi32, #tpu.memory_space<vmem>>
    %dma_start3A_105 = tpu.memref_squeeze %dma_start3A_104 : memref<1x128xi32, #tpu.memory_space<vmem>> -> memref<128xi32, #tpu.memory_space<vmem>>
    %dma_start3A_106 = arith.constant 0 : i32
    %dma_start3A_107 = arith.constant 0 : i32
    %dma_start3A_108 = tpu.memref_slice %arg11[%dma_start3A_106, %dma_start3A_107] : memref<512x16xf32, #tpu.memory_space<vmem_shared>> -> memref<512x16xf32, #tpu.memory_space<vmem_shared>>
    tpu.enqueue_indirect_dma source(%dma_start3A_102 : memref<128x16xf32, #tpu.memory_space<vmem>>) target(%dma_start3A_108 : memref<512x16xf32, #tpu.memory_space<vmem_shared>>) offsets(%dma_start3A_105 : memref<128xi32, #tpu.memory_space<vmem>>) semaphore(%arg12 : memref<!tpu.dma_semaphore, #tpu.memory_space<semaphore_mem>>) {add = true}
    %dma_start3A_109 = arith.constant 7 : i32
    %dma_start3A_110 = arith.constant 896 : i32
    %dma_start3A_111 = arith.constant 0 : i32
    %dma_start3A_112 = tpu.memref_slice %arg8[%dma_start3A_110, %dma_start3A_111] : memref<2048x16xf32, #tpu.memory_space<vmem>> -> memref<128x16xf32, #tpu.memory_space<vmem>>
    %dma_start3A_113 = arith.constant 0 : i32
    %dma_start3A_114 = tpu.memref_slice %arg10[%dma_start3A_109, %dma_start3A_113] : memref<16x128xi32, #tpu.memory_space<vmem>> -> memref<1x128xi32, #tpu.memory_space<vmem>>
    %dma_start3A_115 = tpu.memref_squeeze %dma_start3A_114 : memref<1x128xi32, #tpu.memory_space<vmem>> -> memref<128xi32, #tpu.memory_space<vmem>>
    %dma_start3A_116 = arith.constant 0 : i32
    %dma_start3A_117 = arith.constant 0 : i32
    %dma_start3A_118 = tpu.memref_slice %arg11[%dma_start3A_116, %dma_start3A_117] : memref<512x16xf32, #tpu.memory_space<vmem_shared>> -> memref<512x16xf32, #tpu.memory_space<vmem_shared>>
    tpu.enqueue_indirect_dma source(%dma_start3A_112 : memref<128x16xf32, #tpu.memory_space<vmem>>) target(%dma_start3A_118 : memref<512x16xf32, #tpu.memory_space<vmem_shared>>) offsets(%dma_start3A_115 : memref<128xi32, #tpu.memory_space<vmem>>) semaphore(%arg12 : memref<!tpu.dma_semaphore, #tpu.memory_space<semaphore_mem>>) {add = true}
    %dma_start3A_119 = arith.constant 8 : i32
    %dma_start3A_120 = arith.constant 1024 : i32
    %dma_start3A_121 = arith.constant 0 : i32
    %dma_start3A_122 = tpu.memref_slice %arg8[%dma_start3A_120, %dma_start3A_121] : memref<2048x16xf32, #tpu.memory_space<vmem>> -> memref<128x16xf32, #tpu.memory_space<vmem>>
    %dma_start3A_123 = arith.constant 0 : i32
    %dma_start3A_124 = tpu.memref_slice %arg10[%dma_start3A_119, %dma_start3A_123] : memref<16x128xi32, #tpu.memory_space<vmem>> -> memref<1x128xi32, #tpu.memory_space<vmem>>
    %dma_start3A_125 = tpu.memref_squeeze %dma_start3A_124 : memref<1x128xi32, #tpu.memory_space<vmem>> -> memref<128xi32, #tpu.memory_space<vmem>>
    %dma_start3A_126 = arith.constant 0 : i32
    %dma_start3A_127 = arith.constant 0 : i32
    %dma_start3A_128 = tpu.memref_slice %arg11[%dma_start3A_126, %dma_start3A_127] : memref<512x16xf32, #tpu.memory_space<vmem_shared>> -> memref<512x16xf32, #tpu.memory_space<vmem_shared>>
    tpu.enqueue_indirect_dma source(%dma_start3A_122 : memref<128x16xf32, #tpu.memory_space<vmem>>) target(%dma_start3A_128 : memref<512x16xf32, #tpu.memory_space<vmem_shared>>) offsets(%dma_start3A_125 : memref<128xi32, #tpu.memory_space<vmem>>) semaphore(%arg12 : memref<!tpu.dma_semaphore, #tpu.memory_space<semaphore_mem>>) {add = true}
    %dma_start3A_129 = arith.constant 9 : i32
    %dma_start3A_130 = arith.constant 1152 : i32
    %dma_start3A_131 = arith.constant 0 : i32
    %dma_start3A_132 = tpu.memref_slice %arg8[%dma_start3A_130, %dma_start3A_131] : memref<2048x16xf32, #tpu.memory_space<vmem>> -> memref<128x16xf32, #tpu.memory_space<vmem>>
    %dma_start3A_133 = arith.constant 0 : i32
    %dma_start3A_134 = tpu.memref_slice %arg10[%dma_start3A_129, %dma_start3A_133] : memref<16x128xi32, #tpu.memory_space<vmem>> -> memref<1x128xi32, #tpu.memory_space<vmem>>
    %dma_start3A_135 = tpu.memref_squeeze %dma_start3A_134 : memref<1x128xi32, #tpu.memory_space<vmem>> -> memref<128xi32, #tpu.memory_space<vmem>>
    %dma_start3A_136 = arith.constant 0 : i32
    %dma_start3A_137 = arith.constant 0 : i32
    %dma_start3A_138 = tpu.memref_slice %arg11[%dma_start3A_136, %dma_start3A_137] : memref<512x16xf32, #tpu.memory_space<vmem_shared>> -> memref<512x16xf32, #tpu.memory_space<vmem_shared>>
    tpu.enqueue_indirect_dma source(%dma_start3A_132 : memref<128x16xf32, #tpu.memory_space<vmem>>) target(%dma_start3A_138 : memref<512x16xf32, #tpu.memory_space<vmem_shared>>) offsets(%dma_start3A_135 : memref<128xi32, #tpu.memory_space<vmem>>) semaphore(%arg12 : memref<!tpu.dma_semaphore, #tpu.memory_space<semaphore_mem>>) {add = true}
    %dma_start3A_139 = arith.constant 10 : i32
    %dma_start3A_140 = arith.constant 1280 : i32
    %dma_start3A_141 = arith.constant 0 : i32
    %dma_start3A_142 = tpu.memref_slice %arg8[%dma_start3A_140, %dma_start3A_141] : memref<2048x16xf32, #tpu.memory_space<vmem>> -> memref<128x16xf32, #tpu.memory_space<vmem>>
    %dma_start3A_143 = arith.constant 0 : i32
    %dma_start3A_144 = tpu.memref_slice %arg10[%dma_start3A_139, %dma_start3A_143] : memref<16x128xi32, #tpu.memory_space<vmem>> -> memref<1x128xi32, #tpu.memory_space<vmem>>
    %dma_start3A_145 = tpu.memref_squeeze %dma_start3A_144 : memref<1x128xi32, #tpu.memory_space<vmem>> -> memref<128xi32, #tpu.memory_space<vmem>>
    %dma_start3A_146 = arith.constant 0 : i32
    %dma_start3A_147 = arith.constant 0 : i32
    %dma_start3A_148 = tpu.memref_slice %arg11[%dma_start3A_146, %dma_start3A_147] : memref<512x16xf32, #tpu.memory_space<vmem_shared>> -> memref<512x16xf32, #tpu.memory_space<vmem_shared>>
    tpu.enqueue_indirect_dma source(%dma_start3A_142 : memref<128x16xf32, #tpu.memory_space<vmem>>) target(%dma_start3A_148 : memref<512x16xf32, #tpu.memory_space<vmem_shared>>) offsets(%dma_start3A_145 : memref<128xi32, #tpu.memory_space<vmem>>) semaphore(%arg12 : memref<!tpu.dma_semaphore, #tpu.memory_space<semaphore_mem>>) {add = true}
    %dma_start3A_149 = arith.constant 11 : i32
    %dma_start3A_150 = arith.constant 1408 : i32
    %dma_start3A_151 = arith.constant 0 : i32
    %dma_start3A_152 = tpu.memref_slice %arg8[%dma_start3A_150, %dma_start3A_151] : memref<2048x16xf32, #tpu.memory_space<vmem>> -> memref<128x16xf32, #tpu.memory_space<vmem>>
    %dma_start3A_153 = arith.constant 0 : i32
    %dma_start3A_154 = tpu.memref_slice %arg10[%dma_start3A_149, %dma_start3A_153] : memref<16x128xi32, #tpu.memory_space<vmem>> -> memref<1x128xi32, #tpu.memory_space<vmem>>
    %dma_start3A_155 = tpu.memref_squeeze %dma_start3A_154 : memref<1x128xi32, #tpu.memory_space<vmem>> -> memref<128xi32, #tpu.memory_space<vmem>>
    %dma_start3A_156 = arith.constant 0 : i32
    %dma_start3A_157 = arith.constant 0 : i32
    %dma_start3A_158 = tpu.memref_slice %arg11[%dma_start3A_156, %dma_start3A_157] : memref<512x16xf32, #tpu.memory_space<vmem_shared>> -> memref<512x16xf32, #tpu.memory_space<vmem_shared>>
    tpu.enqueue_indirect_dma source(%dma_start3A_152 : memref<128x16xf32, #tpu.memory_space<vmem>>) target(%dma_start3A_158 : memref<512x16xf32, #tpu.memory_space<vmem_shared>>) offsets(%dma_start3A_155 : memref<128xi32, #tpu.memory_space<vmem>>) semaphore(%arg12 : memref<!tpu.dma_semaphore, #tpu.memory_space<semaphore_mem>>) {add = true}
    %dma_start3A_159 = arith.constant 12 : i32
    %dma_start3A_160 = arith.constant 1536 : i32
    %dma_start3A_161 = arith.constant 0 : i32
    %dma_start3A_162 = tpu.memref_slice %arg8[%dma_start3A_160, %dma_start3A_161] : memref<2048x16xf32, #tpu.memory_space<vmem>> -> memref<128x16xf32, #tpu.memory_space<vmem>>
    %dma_start3A_163 = arith.constant 0 : i32
    %dma_start3A_164 = tpu.memref_slice %arg10[%dma_start3A_159, %dma_start3A_163] : memref<16x128xi32, #tpu.memory_space<vmem>> -> memref<1x128xi32, #tpu.memory_space<vmem>>
    %dma_start3A_165 = tpu.memref_squeeze %dma_start3A_164 : memref<1x128xi32, #tpu.memory_space<vmem>> -> memref<128xi32, #tpu.memory_space<vmem>>
    %dma_start3A_166 = arith.constant 0 : i32
    %dma_start3A_167 = arith.constant 0 : i32
    %dma_start3A_168 = tpu.memref_slice %arg11[%dma_start3A_166, %dma_start3A_167] : memref<512x16xf32, #tpu.memory_space<vmem_shared>> -> memref<512x16xf32, #tpu.memory_space<vmem_shared>>
    tpu.enqueue_indirect_dma source(%dma_start3A_162 : memref<128x16xf32, #tpu.memory_space<vmem>>) target(%dma_start3A_168 : memref<512x16xf32, #tpu.memory_space<vmem_shared>>) offsets(%dma_start3A_165 : memref<128xi32, #tpu.memory_space<vmem>>) semaphore(%arg12 : memref<!tpu.dma_semaphore, #tpu.memory_space<semaphore_mem>>) {add = true}
    %dma_start3A_169 = arith.constant 13 : i32
    %dma_start3A_170 = arith.constant 1664 : i32
    %dma_start3A_171 = arith.constant 0 : i32
    %dma_start3A_172 = tpu.memref_slice %arg8[%dma_start3A_170, %dma_start3A_171] : memref<2048x16xf32, #tpu.memory_space<vmem>> -> memref<128x16xf32, #tpu.memory_space<vmem>>
    %dma_start3A_173 = arith.constant 0 : i32
    %dma_start3A_174 = tpu.memref_slice %arg10[%dma_start3A_169, %dma_start3A_173] : memref<16x128xi32, #tpu.memory_space<vmem>> -> memref<1x128xi32, #tpu.memory_space<vmem>>
    %dma_start3A_175 = tpu.memref_squeeze %dma_start3A_174 : memref<1x128xi32, #tpu.memory_space<vmem>> -> memref<128xi32, #tpu.memory_space<vmem>>
    %dma_start3A_176 = arith.constant 0 : i32
    %dma_start3A_177 = arith.constant 0 : i32
    %dma_start3A_178 = tpu.memref_slice %arg11[%dma_start3A_176, %dma_start3A_177] : memref<512x16xf32, #tpu.memory_space<vmem_shared>> -> memref<512x16xf32, #tpu.memory_space<vmem_shared>>
    tpu.enqueue_indirect_dma source(%dma_start3A_172 : memref<128x16xf32, #tpu.memory_space<vmem>>) target(%dma_start3A_178 : memref<512x16xf32, #tpu.memory_space<vmem_shared>>) offsets(%dma_start3A_175 : memref<128xi32, #tpu.memory_space<vmem>>) semaphore(%arg12 : memref<!tpu.dma_semaphore, #tpu.memory_space<semaphore_mem>>) {add = true}
    %dma_start3A_179 = arith.constant 14 : i32
    %dma_start3A_180 = arith.constant 1792 : i32
    %dma_start3A_181 = arith.constant 0 : i32
    %dma_start3A_182 = tpu.memref_slice %arg8[%dma_start3A_180, %dma_start3A_181] : memref<2048x16xf32, #tpu.memory_space<vmem>> -> memref<128x16xf32, #tpu.memory_space<vmem>>
    %dma_start3A_183 = arith.constant 0 : i32
    %dma_start3A_184 = tpu.memref_slice %arg10[%dma_start3A_179, %dma_start3A_183] : memref<16x128xi32, #tpu.memory_space<vmem>> -> memref<1x128xi32, #tpu.memory_space<vmem>>
    %dma_start3A_185 = tpu.memref_squeeze %dma_start3A_184 : memref<1x128xi32, #tpu.memory_space<vmem>> -> memref<128xi32, #tpu.memory_space<vmem>>
    %dma_start3A_186 = arith.constant 0 : i32
    %dma_start3A_187 = arith.constant 0 : i32
    %dma_start3A_188 = tpu.memref_slice %arg11[%dma_start3A_186, %dma_start3A_187] : memref<512x16xf32, #tpu.memory_space<vmem_shared>> -> memref<512x16xf32, #tpu.memory_space<vmem_shared>>
    tpu.enqueue_indirect_dma source(%dma_start3A_182 : memref<128x16xf32, #tpu.memory_space<vmem>>) target(%dma_start3A_188 : memref<512x16xf32, #tpu.memory_space<vmem_shared>>) offsets(%dma_start3A_185 : memref<128xi32, #tpu.memory_space<vmem>>) semaphore(%arg12 : memref<!tpu.dma_semaphore, #tpu.memory_space<semaphore_mem>>) {add = true}
    %dma_start3A_189 = arith.constant 15 : i32
    %dma_start3A_190 = arith.constant 1920 : i32
    %dma_start3A_191 = arith.constant 0 : i32
    %dma_start3A_192 = tpu.memref_slice %arg8[%dma_start3A_190, %dma_start3A_191] : memref<2048x16xf32, #tpu.memory_space<vmem>> -> memref<128x16xf32, #tpu.memory_space<vmem>>
    %dma_start3A_193 = arith.constant 0 : i32
    %dma_start3A_194 = tpu.memref_slice %arg10[%dma_start3A_189, %dma_start3A_193] : memref<16x128xi32, #tpu.memory_space<vmem>> -> memref<1x128xi32, #tpu.memory_space<vmem>>
    %dma_start3A_195 = tpu.memref_squeeze %dma_start3A_194 : memref<1x128xi32, #tpu.memory_space<vmem>> -> memref<128xi32, #tpu.memory_space<vmem>>
    %dma_start3A_196 = arith.constant 0 : i32
    %dma_start3A_197 = arith.constant 0 : i32
    %dma_start3A_198 = tpu.memref_slice %arg11[%dma_start3A_196, %dma_start3A_197] : memref<512x16xf32, #tpu.memory_space<vmem_shared>> -> memref<512x16xf32, #tpu.memory_space<vmem_shared>>
    tpu.enqueue_indirect_dma source(%dma_start3A_192 : memref<128x16xf32, #tpu.memory_space<vmem>>) target(%dma_start3A_198 : memref<512x16xf32, #tpu.memory_space<vmem_shared>>) offsets(%dma_start3A_195 : memref<128xi32, #tpu.memory_space<vmem>>) semaphore(%arg12 : memref<!tpu.dma_semaphore, #tpu.memory_space<semaphore_mem>>) {add = true}
    %dma_wait3A_199 = arith.constant 0 : i32
    %dma_wait3A_200 = arith.constant 0 : i32
    %dma_wait3A_201 = arith.constant 0 : i32
    %dma_wait3A_202 = tpu.memref_slice %arg8[%dma_wait3A_200, %dma_wait3A_201] : memref<2048x16xf32, #tpu.memory_space<vmem>> -> memref<128x16xf32, #tpu.memory_space<vmem>>
    %dma_wait3A_203 = arith.constant 0 : i32
    %dma_wait3A_204 = tpu.memref_slice %arg10[%dma_wait3A_199, %dma_wait3A_203] : memref<16x128xi32, #tpu.memory_space<vmem>> -> memref<1x128xi32, #tpu.memory_space<vmem>>
    %dma_wait3A_205 = tpu.memref_squeeze %dma_wait3A_204 : memref<1x128xi32, #tpu.memory_space<vmem>> -> memref<128xi32, #tpu.memory_space<vmem>>
    %dma_wait3A_206 = arith.constant 0 : i32
    %dma_wait3A_207 = arith.constant 0 : i32
    %dma_wait3A_208 = tpu.memref_slice %arg11[%dma_wait3A_206, %dma_wait3A_207] : memref<512x16xf32, #tpu.memory_space<vmem_shared>> -> memref<512x16xf32, #tpu.memory_space<vmem_shared>>
    tpu.wait_indirect_dma semaphore(%arg12 : memref<!tpu.dma_semaphore, #tpu.memory_space<semaphore_mem>>) src(%dma_wait3A_202 : memref<128x16xf32, #tpu.memory_space<vmem>>) dst(%dma_wait3A_208 : memref<512x16xf32, #tpu.memory_space<vmem_shared>>)
    %dma_wait3A_209 = arith.constant 1 : i32
    %dma_wait3A_210 = arith.constant 128 : i32
    %dma_wait3A_211 = arith.constant 0 : i32
    %dma_wait3A_212 = tpu.memref_slice %arg8[%dma_wait3A_210, %dma_wait3A_211] : memref<2048x16xf32, #tpu.memory_space<vmem>> -> memref<128x16xf32, #tpu.memory_space<vmem>>
    %dma_wait3A_213 = arith.constant 0 : i32
    %dma_wait3A_214 = tpu.memref_slice %arg10[%dma_wait3A_209, %dma_wait3A_213] : memref<16x128xi32, #tpu.memory_space<vmem>> -> memref<1x128xi32, #tpu.memory_space<vmem>>
    %dma_wait3A_215 = tpu.memref_squeeze %dma_wait3A_214 : memref<1x128xi32, #tpu.memory_space<vmem>> -> memref<128xi32, #tpu.memory_space<vmem>>
    %dma_wait3A_216 = arith.constant 0 : i32
    %dma_wait3A_217 = arith.constant 0 : i32
    %dma_wait3A_218 = tpu.memref_slice %arg11[%dma_wait3A_216, %dma_wait3A_217] : memref<512x16xf32, #tpu.memory_space<vmem_shared>> -> memref<512x16xf32, #tpu.memory_space<vmem_shared>>
    tpu.wait_indirect_dma semaphore(%arg12 : memref<!tpu.dma_semaphore, #tpu.memory_space<semaphore_mem>>) src(%dma_wait3A_212 : memref<128x16xf32, #tpu.memory_space<vmem>>) dst(%dma_wait3A_218 : memref<512x16xf32, #tpu.memory_space<vmem_shared>>)
    %dma_wait3A_219 = arith.constant 2 : i32
    %dma_wait3A_220 = arith.constant 256 : i32
    %dma_wait3A_221 = arith.constant 0 : i32
    %dma_wait3A_222 = tpu.memref_slice %arg8[%dma_wait3A_220, %dma_wait3A_221] : memref<2048x16xf32, #tpu.memory_space<vmem>> -> memref<128x16xf32, #tpu.memory_space<vmem>>
    %dma_wait3A_223 = arith.constant 0 : i32
    %dma_wait3A_224 = tpu.memref_slice %arg10[%dma_wait3A_219, %dma_wait3A_223] : memref<16x128xi32, #tpu.memory_space<vmem>> -> memref<1x128xi32, #tpu.memory_space<vmem>>
    %dma_wait3A_225 = tpu.memref_squeeze %dma_wait3A_224 : memref<1x128xi32, #tpu.memory_space<vmem>> -> memref<128xi32, #tpu.memory_space<vmem>>
    %dma_wait3A_226 = arith.constant 0 : i32
    %dma_wait3A_227 = arith.constant 0 : i32
    %dma_wait3A_228 = tpu.memref_slice %arg11[%dma_wait3A_226, %dma_wait3A_227] : memref<512x16xf32, #tpu.memory_space<vmem_shared>> -> memref<512x16xf32, #tpu.memory_space<vmem_shared>>
    tpu.wait_indirect_dma semaphore(%arg12 : memref<!tpu.dma_semaphore, #tpu.memory_space<semaphore_mem>>) src(%dma_wait3A_222 : memref<128x16xf32, #tpu.memory_space<vmem>>) dst(%dma_wait3A_228 : memref<512x16xf32, #tpu.memory_space<vmem_shared>>)
    %dma_wait3A_229 = arith.constant 3 : i32
    %dma_wait3A_230 = arith.constant 384 : i32
    %dma_wait3A_231 = arith.constant 0 : i32
    %dma_wait3A_232 = tpu.memref_slice %arg8[%dma_wait3A_230, %dma_wait3A_231] : memref<2048x16xf32, #tpu.memory_space<vmem>> -> memref<128x16xf32, #tpu.memory_space<vmem>>
    %dma_wait3A_233 = arith.constant 0 : i32
    %dma_wait3A_234 = tpu.memref_slice %arg10[%dma_wait3A_229, %dma_wait3A_233] : memref<16x128xi32, #tpu.memory_space<vmem>> -> memref<1x128xi32, #tpu.memory_space<vmem>>
    %dma_wait3A_235 = tpu.memref_squeeze %dma_wait3A_234 : memref<1x128xi32, #tpu.memory_space<vmem>> -> memref<128xi32, #tpu.memory_space<vmem>>
    %dma_wait3A_236 = arith.constant 0 : i32
    %dma_wait3A_237 = arith.constant 0 : i32
    %dma_wait3A_238 = tpu.memref_slice %arg11[%dma_wait3A_236, %dma_wait3A_237] : memref<512x16xf32, #tpu.memory_space<vmem_shared>> -> memref<512x16xf32, #tpu.memory_space<vmem_shared>>
    tpu.wait_indirect_dma semaphore(%arg12 : memref<!tpu.dma_semaphore, #tpu.memory_space<semaphore_mem>>) src(%dma_wait3A_232 : memref<128x16xf32, #tpu.memory_space<vmem>>) dst(%dma_wait3A_238 : memref<512x16xf32, #tpu.memory_space<vmem_shared>>)
    %dma_wait3A_239 = arith.constant 4 : i32
    %dma_wait3A_240 = arith.constant 512 : i32
    %dma_wait3A_241 = arith.constant 0 : i32
    %dma_wait3A_242 = tpu.memref_slice %arg8[%dma_wait3A_240, %dma_wait3A_241] : memref<2048x16xf32, #tpu.memory_space<vmem>> -> memref<128x16xf32, #tpu.memory_space<vmem>>
    %dma_wait3A_243 = arith.constant 0 : i32
    %dma_wait3A_244 = tpu.memref_slice %arg10[%dma_wait3A_239, %dma_wait3A_243] : memref<16x128xi32, #tpu.memory_space<vmem>> -> memref<1x128xi32, #tpu.memory_space<vmem>>
    %dma_wait3A_245 = tpu.memref_squeeze %dma_wait3A_244 : memref<1x128xi32, #tpu.memory_space<vmem>> -> memref<128xi32, #tpu.memory_space<vmem>>
    %dma_wait3A_246 = arith.constant 0 : i32
    %dma_wait3A_247 = arith.constant 0 : i32
    %dma_wait3A_248 = tpu.memref_slice %arg11[%dma_wait3A_246, %dma_wait3A_247] : memref<512x16xf32, #tpu.memory_space<vmem_shared>> -> memref<512x16xf32, #tpu.memory_space<vmem_shared>>
    tpu.wait_indirect_dma semaphore(%arg12 : memref<!tpu.dma_semaphore, #tpu.memory_space<semaphore_mem>>) src(%dma_wait3A_242 : memref<128x16xf32, #tpu.memory_space<vmem>>) dst(%dma_wait3A_248 : memref<512x16xf32, #tpu.memory_space<vmem_shared>>)
    %dma_wait3A_249 = arith.constant 5 : i32
    %dma_wait3A_250 = arith.constant 640 : i32
    %dma_wait3A_251 = arith.constant 0 : i32
    %dma_wait3A_252 = tpu.memref_slice %arg8[%dma_wait3A_250, %dma_wait3A_251] : memref<2048x16xf32, #tpu.memory_space<vmem>> -> memref<128x16xf32, #tpu.memory_space<vmem>>
    %dma_wait3A_253 = arith.constant 0 : i32
    %dma_wait3A_254 = tpu.memref_slice %arg10[%dma_wait3A_249, %dma_wait3A_253] : memref<16x128xi32, #tpu.memory_space<vmem>> -> memref<1x128xi32, #tpu.memory_space<vmem>>
    %dma_wait3A_255 = tpu.memref_squeeze %dma_wait3A_254 : memref<1x128xi32, #tpu.memory_space<vmem>> -> memref<128xi32, #tpu.memory_space<vmem>>
    %dma_wait3A_256 = arith.constant 0 : i32
    %dma_wait3A_257 = arith.constant 0 : i32
    %dma_wait3A_258 = tpu.memref_slice %arg11[%dma_wait3A_256, %dma_wait3A_257] : memref<512x16xf32, #tpu.memory_space<vmem_shared>> -> memref<512x16xf32, #tpu.memory_space<vmem_shared>>
    tpu.wait_indirect_dma semaphore(%arg12 : memref<!tpu.dma_semaphore, #tpu.memory_space<semaphore_mem>>) src(%dma_wait3A_252 : memref<128x16xf32, #tpu.memory_space<vmem>>) dst(%dma_wait3A_258 : memref<512x16xf32, #tpu.memory_space<vmem_shared>>)
    %dma_wait3A_259 = arith.constant 6 : i32
    %dma_wait3A_260 = arith.constant 768 : i32
    %dma_wait3A_261 = arith.constant 0 : i32
    %dma_wait3A_262 = tpu.memref_slice %arg8[%dma_wait3A_260, %dma_wait3A_261] : memref<2048x16xf32, #tpu.memory_space<vmem>> -> memref<128x16xf32, #tpu.memory_space<vmem>>
    %dma_wait3A_263 = arith.constant 0 : i32
    %dma_wait3A_264 = tpu.memref_slice %arg10[%dma_wait3A_259, %dma_wait3A_263] : memref<16x128xi32, #tpu.memory_space<vmem>> -> memref<1x128xi32, #tpu.memory_space<vmem>>
    %dma_wait3A_265 = tpu.memref_squeeze %dma_wait3A_264 : memref<1x128xi32, #tpu.memory_space<vmem>> -> memref<128xi32, #tpu.memory_space<vmem>>
    %dma_wait3A_266 = arith.constant 0 : i32
    %dma_wait3A_267 = arith.constant 0 : i32
    %dma_wait3A_268 = tpu.memref_slice %arg11[%dma_wait3A_266, %dma_wait3A_267] : memref<512x16xf32, #tpu.memory_space<vmem_shared>> -> memref<512x16xf32, #tpu.memory_space<vmem_shared>>
    tpu.wait_indirect_dma semaphore(%arg12 : memref<!tpu.dma_semaphore, #tpu.memory_space<semaphore_mem>>) src(%dma_wait3A_262 : memref<128x16xf32, #tpu.memory_space<vmem>>) dst(%dma_wait3A_268 : memref<512x16xf32, #tpu.memory_space<vmem_shared>>)
    %dma_wait3A_269 = arith.constant 7 : i32
    %dma_wait3A_270 = arith.constant 896 : i32
    %dma_wait3A_271 = arith.constant 0 : i32
    %dma_wait3A_272 = tpu.memref_slice %arg8[%dma_wait3A_270, %dma_wait3A_271] : memref<2048x16xf32, #tpu.memory_space<vmem>> -> memref<128x16xf32, #tpu.memory_space<vmem>>
    %dma_wait3A_273 = arith.constant 0 : i32
    %dma_wait3A_274 = tpu.memref_slice %arg10[%dma_wait3A_269, %dma_wait3A_273] : memref<16x128xi32, #tpu.memory_space<vmem>> -> memref<1x128xi32, #tpu.memory_space<vmem>>
    %dma_wait3A_275 = tpu.memref_squeeze %dma_wait3A_274 : memref<1x128xi32, #tpu.memory_space<vmem>> -> memref<128xi32, #tpu.memory_space<vmem>>
    %dma_wait3A_276 = arith.constant 0 : i32
    %dma_wait3A_277 = arith.constant 0 : i32
    %dma_wait3A_278 = tpu.memref_slice %arg11[%dma_wait3A_276, %dma_wait3A_277] : memref<512x16xf32, #tpu.memory_space<vmem_shared>> -> memref<512x16xf32, #tpu.memory_space<vmem_shared>>
    tpu.wait_indirect_dma semaphore(%arg12 : memref<!tpu.dma_semaphore, #tpu.memory_space<semaphore_mem>>) src(%dma_wait3A_272 : memref<128x16xf32, #tpu.memory_space<vmem>>) dst(%dma_wait3A_278 : memref<512x16xf32, #tpu.memory_space<vmem_shared>>)
    %dma_wait3A_279 = arith.constant 8 : i32
    %dma_wait3A_280 = arith.constant 1024 : i32
    %dma_wait3A_281 = arith.constant 0 : i32
    %dma_wait3A_282 = tpu.memref_slice %arg8[%dma_wait3A_280, %dma_wait3A_281] : memref<2048x16xf32, #tpu.memory_space<vmem>> -> memref<128x16xf32, #tpu.memory_space<vmem>>
    %dma_wait3A_283 = arith.constant 0 : i32
    %dma_wait3A_284 = tpu.memref_slice %arg10[%dma_wait3A_279, %dma_wait3A_283] : memref<16x128xi32, #tpu.memory_space<vmem>> -> memref<1x128xi32, #tpu.memory_space<vmem>>
    %dma_wait3A_285 = tpu.memref_squeeze %dma_wait3A_284 : memref<1x128xi32, #tpu.memory_space<vmem>> -> memref<128xi32, #tpu.memory_space<vmem>>
    %dma_wait3A_286 = arith.constant 0 : i32
    %dma_wait3A_287 = arith.constant 0 : i32
    %dma_wait3A_288 = tpu.memref_slice %arg11[%dma_wait3A_286, %dma_wait3A_287] : memref<512x16xf32, #tpu.memory_space<vmem_shared>> -> memref<512x16xf32, #tpu.memory_space<vmem_shared>>
    tpu.wait_indirect_dma semaphore(%arg12 : memref<!tpu.dma_semaphore, #tpu.memory_space<semaphore_mem>>) src(%dma_wait3A_282 : memref<128x16xf32, #tpu.memory_space<vmem>>) dst(%dma_wait3A_288 : memref<512x16xf32, #tpu.memory_space<vmem_shared>>)
    %dma_wait3A_289 = arith.constant 9 : i32
    %dma_wait3A_290 = arith.constant 1152 : i32
    %dma_wait3A_291 = arith.constant 0 : i32
    %dma_wait3A_292 = tpu.memref_slice %arg8[%dma_wait3A_290, %dma_wait3A_291] : memref<2048x16xf32, #tpu.memory_space<vmem>> -> memref<128x16xf32, #tpu.memory_space<vmem>>
    %dma_wait3A_293 = arith.constant 0 : i32
    %dma_wait3A_294 = tpu.memref_slice %arg10[%dma_wait3A_289, %dma_wait3A_293] : memref<16x128xi32, #tpu.memory_space<vmem>> -> memref<1x128xi32, #tpu.memory_space<vmem>>
    %dma_wait3A_295 = tpu.memref_squeeze %dma_wait3A_294 : memref<1x128xi32, #tpu.memory_space<vmem>> -> memref<128xi32, #tpu.memory_space<vmem>>
    %dma_wait3A_296 = arith.constant 0 : i32
    %dma_wait3A_297 = arith.constant 0 : i32
    %dma_wait3A_298 = tpu.memref_slice %arg11[%dma_wait3A_296, %dma_wait3A_297] : memref<512x16xf32, #tpu.memory_space<vmem_shared>> -> memref<512x16xf32, #tpu.memory_space<vmem_shared>>
    tpu.wait_indirect_dma semaphore(%arg12 : memref<!tpu.dma_semaphore, #tpu.memory_space<semaphore_mem>>) src(%dma_wait3A_292 : memref<128x16xf32, #tpu.memory_space<vmem>>) dst(%dma_wait3A_298 : memref<512x16xf32, #tpu.memory_space<vmem_shared>>)
    %dma_wait3A_299 = arith.constant 10 : i32
    %dma_wait3A_300 = arith.constant 1280 : i32
    %dma_wait3A_301 = arith.constant 0 : i32
    %dma_wait3A_302 = tpu.memref_slice %arg8[%dma_wait3A_300, %dma_wait3A_301] : memref<2048x16xf32, #tpu.memory_space<vmem>> -> memref<128x16xf32, #tpu.memory_space<vmem>>
    %dma_wait3A_303 = arith.constant 0 : i32
    %dma_wait3A_304 = tpu.memref_slice %arg10[%dma_wait3A_299, %dma_wait3A_303] : memref<16x128xi32, #tpu.memory_space<vmem>> -> memref<1x128xi32, #tpu.memory_space<vmem>>
    %dma_wait3A_305 = tpu.memref_squeeze %dma_wait3A_304 : memref<1x128xi32, #tpu.memory_space<vmem>> -> memref<128xi32, #tpu.memory_space<vmem>>
    %dma_wait3A_306 = arith.constant 0 : i32
    %dma_wait3A_307 = arith.constant 0 : i32
    %dma_wait3A_308 = tpu.memref_slice %arg11[%dma_wait3A_306, %dma_wait3A_307] : memref<512x16xf32, #tpu.memory_space<vmem_shared>> -> memref<512x16xf32, #tpu.memory_space<vmem_shared>>
    tpu.wait_indirect_dma semaphore(%arg12 : memref<!tpu.dma_semaphore, #tpu.memory_space<semaphore_mem>>) src(%dma_wait3A_302 : memref<128x16xf32, #tpu.memory_space<vmem>>) dst(%dma_wait3A_308 : memref<512x16xf32, #tpu.memory_space<vmem_shared>>)
    %dma_wait3A_309 = arith.constant 11 : i32
    %dma_wait3A_310 = arith.constant 1408 : i32
    %dma_wait3A_311 = arith.constant 0 : i32
    %dma_wait3A_312 = tpu.memref_slice %arg8[%dma_wait3A_310, %dma_wait3A_311] : memref<2048x16xf32, #tpu.memory_space<vmem>> -> memref<128x16xf32, #tpu.memory_space<vmem>>
    %dma_wait3A_313 = arith.constant 0 : i32
    %dma_wait3A_314 = tpu.memref_slice %arg10[%dma_wait3A_309, %dma_wait3A_313] : memref<16x128xi32, #tpu.memory_space<vmem>> -> memref<1x128xi32, #tpu.memory_space<vmem>>
    %dma_wait3A_315 = tpu.memref_squeeze %dma_wait3A_314 : memref<1x128xi32, #tpu.memory_space<vmem>> -> memref<128xi32, #tpu.memory_space<vmem>>
    %dma_wait3A_316 = arith.constant 0 : i32
    %dma_wait3A_317 = arith.constant 0 : i32
    %dma_wait3A_318 = tpu.memref_slice %arg11[%dma_wait3A_316, %dma_wait3A_317] : memref<512x16xf32, #tpu.memory_space<vmem_shared>> -> memref<512x16xf32, #tpu.memory_space<vmem_shared>>
    tpu.wait_indirect_dma semaphore(%arg12 : memref<!tpu.dma_semaphore, #tpu.memory_space<semaphore_mem>>) src(%dma_wait3A_312 : memref<128x16xf32, #tpu.memory_space<vmem>>) dst(%dma_wait3A_318 : memref<512x16xf32, #tpu.memory_space<vmem_shared>>)
    %dma_wait3A_319 = arith.constant 12 : i32
    %dma_wait3A_320 = arith.constant 1536 : i32
    %dma_wait3A_321 = arith.constant 0 : i32
    %dma_wait3A_322 = tpu.memref_slice %arg8[%dma_wait3A_320, %dma_wait3A_321] : memref<2048x16xf32, #tpu.memory_space<vmem>> -> memref<128x16xf32, #tpu.memory_space<vmem>>
    %dma_wait3A_323 = arith.constant 0 : i32
    %dma_wait3A_324 = tpu.memref_slice %arg10[%dma_wait3A_319, %dma_wait3A_323] : memref<16x128xi32, #tpu.memory_space<vmem>> -> memref<1x128xi32, #tpu.memory_space<vmem>>
    %dma_wait3A_325 = tpu.memref_squeeze %dma_wait3A_324 : memref<1x128xi32, #tpu.memory_space<vmem>> -> memref<128xi32, #tpu.memory_space<vmem>>
    %dma_wait3A_326 = arith.constant 0 : i32
    %dma_wait3A_327 = arith.constant 0 : i32
    %dma_wait3A_328 = tpu.memref_slice %arg11[%dma_wait3A_326, %dma_wait3A_327] : memref<512x16xf32, #tpu.memory_space<vmem_shared>> -> memref<512x16xf32, #tpu.memory_space<vmem_shared>>
    tpu.wait_indirect_dma semaphore(%arg12 : memref<!tpu.dma_semaphore, #tpu.memory_space<semaphore_mem>>) src(%dma_wait3A_322 : memref<128x16xf32, #tpu.memory_space<vmem>>) dst(%dma_wait3A_328 : memref<512x16xf32, #tpu.memory_space<vmem_shared>>)
    %dma_wait3A_329 = arith.constant 13 : i32
    %dma_wait3A_330 = arith.constant 1664 : i32
    %dma_wait3A_331 = arith.constant 0 : i32
    %dma_wait3A_332 = tpu.memref_slice %arg8[%dma_wait3A_330, %dma_wait3A_331] : memref<2048x16xf32, #tpu.memory_space<vmem>> -> memref<128x16xf32, #tpu.memory_space<vmem>>
    %dma_wait3A_333 = arith.constant 0 : i32
    %dma_wait3A_334 = tpu.memref_slice %arg10[%dma_wait3A_329, %dma_wait3A_333] : memref<16x128xi32, #tpu.memory_space<vmem>> -> memref<1x128xi32, #tpu.memory_space<vmem>>
    %dma_wait3A_335 = tpu.memref_squeeze %dma_wait3A_334 : memref<1x128xi32, #tpu.memory_space<vmem>> -> memref<128xi32, #tpu.memory_space<vmem>>
    %dma_wait3A_336 = arith.constant 0 : i32
    %dma_wait3A_337 = arith.constant 0 : i32
    %dma_wait3A_338 = tpu.memref_slice %arg11[%dma_wait3A_336, %dma_wait3A_337] : memref<512x16xf32, #tpu.memory_space<vmem_shared>> -> memref<512x16xf32, #tpu.memory_space<vmem_shared>>
    tpu.wait_indirect_dma semaphore(%arg12 : memref<!tpu.dma_semaphore, #tpu.memory_space<semaphore_mem>>) src(%dma_wait3A_332 : memref<128x16xf32, #tpu.memory_space<vmem>>) dst(%dma_wait3A_338 : memref<512x16xf32, #tpu.memory_space<vmem_shared>>)
    %dma_wait3A_339 = arith.constant 14 : i32
    %dma_wait3A_340 = arith.constant 1792 : i32
    %dma_wait3A_341 = arith.constant 0 : i32
    %dma_wait3A_342 = tpu.memref_slice %arg8[%dma_wait3A_340, %dma_wait3A_341] : memref<2048x16xf32, #tpu.memory_space<vmem>> -> memref<128x16xf32, #tpu.memory_space<vmem>>
    %dma_wait3A_343 = arith.constant 0 : i32
    %dma_wait3A_344 = tpu.memref_slice %arg10[%dma_wait3A_339, %dma_wait3A_343] : memref<16x128xi32, #tpu.memory_space<vmem>> -> memref<1x128xi32, #tpu.memory_space<vmem>>
    %dma_wait3A_345 = tpu.memref_squeeze %dma_wait3A_344 : memref<1x128xi32, #tpu.memory_space<vmem>> -> memref<128xi32, #tpu.memory_space<vmem>>
    %dma_wait3A_346 = arith.constant 0 : i32
    %dma_wait3A_347 = arith.constant 0 : i32
    %dma_wait3A_348 = tpu.memref_slice %arg11[%dma_wait3A_346, %dma_wait3A_347] : memref<512x16xf32, #tpu.memory_space<vmem_shared>> -> memref<512x16xf32, #tpu.memory_space<vmem_shared>>
    tpu.wait_indirect_dma semaphore(%arg12 : memref<!tpu.dma_semaphore, #tpu.memory_space<semaphore_mem>>) src(%dma_wait3A_342 : memref<128x16xf32, #tpu.memory_space<vmem>>) dst(%dma_wait3A_348 : memref<512x16xf32, #tpu.memory_space<vmem_shared>>)
    %dma_wait3A_349 = arith.constant 15 : i32
    %dma_wait3A_350 = arith.constant 1920 : i32
    %dma_wait3A_351 = arith.constant 0 : i32
    %dma_wait3A_352 = tpu.memref_slice %arg8[%dma_wait3A_350, %dma_wait3A_351] : memref<2048x16xf32, #tpu.memory_space<vmem>> -> memref<128x16xf32, #tpu.memory_space<vmem>>
    %dma_wait3A_353 = arith.constant 0 : i32
    %dma_wait3A_354 = tpu.memref_slice %arg10[%dma_wait3A_349, %dma_wait3A_353] : memref<16x128xi32, #tpu.memory_space<vmem>> -> memref<1x128xi32, #tpu.memory_space<vmem>>
    %dma_wait3A_355 = tpu.memref_squeeze %dma_wait3A_354 : memref<1x128xi32, #tpu.memory_space<vmem>> -> memref<128xi32, #tpu.memory_space<vmem>>
    %dma_wait3A_356 = arith.constant 0 : i32
    %dma_wait3A_357 = arith.constant 0 : i32
    %dma_wait3A_358 = tpu.memref_slice %arg11[%dma_wait3A_356, %dma_wait3A_357] : memref<512x16xf32, #tpu.memory_space<vmem_shared>> -> memref<512x16xf32, #tpu.memory_space<vmem_shared>>
    tpu.wait_indirect_dma semaphore(%arg12 : memref<!tpu.dma_semaphore, #tpu.memory_space<semaphore_mem>>) src(%dma_wait3A_352 : memref<128x16xf32, #tpu.memory_space<vmem>>) dst(%dma_wait3A_358 : memref<512x16xf32, #tpu.memory_space<vmem_shared>>)
    %barrier3A_359 = arith.constant 0 : index
    tpu.barrier barrier_id(%barrier3A_359)
    %eq3A_360 = arith.constant 0 : i32
    %eq3A_361 = arith.cmpi eq, %arg1, %eq3A_360 : i32
    %convert_element_type3A_362 = arith.extui %eq3A_361 : i1 to i32
    %cond3A_363 = arith.constant 0 : i32
    %cond3A_364 = arith.cmpi ne, %convert_element_type3A_362, %cond3A_363 : i32
    scf.if %cond3A_364 {
      "tpu.region"() ({
        %run_scoped3A = tpu.sem_alloc : memref<!tpu.dma_semaphore, #tpu.memory_space<semaphore_mem>>
        %dma_start3A_365 = arith.constant 0 : i32
        %dma_start3A_366 = arith.constant 0 : i32
        %dma_start3A_367 = tpu.memref_slice %arg5[%arg0, %dma_start3A_365, %dma_start3A_366] : memref<2x512x16xf32, #tpu.memory_space<hbm>> -> memref<1x512x16xf32, #tpu.memory_space<hbm>>
        %dma_start3A_368 = tpu.memref_squeeze %dma_start3A_367 : memref<1x512x16xf32, #tpu.memory_space<hbm>> -> memref<512x16xf32, #tpu.memory_space<hbm>>
        tpu.enqueue_dma source(%arg11 : memref<512x16xf32, #tpu.memory_space<vmem_shared>>) target(%dma_start3A_368 : memref<512x16xf32, #tpu.memory_space<hbm>>) target_semaphore(%run_scoped3A : memref<!tpu.dma_semaphore, #tpu.memory_space<semaphore_mem>>)
        %dma_wait3A_369 = arith.constant 0 : i32
        %dma_wait3A_370 = arith.constant 0 : i32
        %dma_wait3A_371 = tpu.memref_slice %arg5[%arg0, %dma_wait3A_369, %dma_wait3A_370] : memref<2x512x16xf32, #tpu.memory_space<hbm>> -> memref<1x512x16xf32, #tpu.memory_space<hbm>>
        %dma_wait3A_372 = tpu.memref_squeeze %dma_wait3A_371 : memref<1x512x16xf32, #tpu.memory_space<hbm>> -> memref<512x16xf32, #tpu.memory_space<hbm>>
        tpu.wait_dma2 semaphore(%run_scoped3A : memref<!tpu.dma_semaphore, #tpu.memory_space<semaphore_mem>>) src(%arg11 : memref<512x16xf32, #tpu.memory_space<vmem_shared>>) dst(%dma_wait3A_372 : memref<512x16xf32, #tpu.memory_space<hbm>>)
        tpu.yield
      }) : () -> ()
    } else {
    }
    return
  }
}

module attributes {stable_mosaic.version = 14 : i64} {
  func.func @_tc_body(%arg0: i32, %arg1: memref<2x512x16xf32, #tpu.memory_space<vmem>>, %arg2: memref<2x2048xf32, #tpu.memory_space<vmem>>, %arg3: memref<512x2xf32, #tpu.memory_space<vmem>>, %arg4: memref<2048xi32, #tpu.memory_space<vmem>>, %arg5: memref<512x2xf32, #tpu.memory_space<vmem>>) attributes {dimension_semantics = [#tpu.dimension_semantics<arbitrary>], iteration_bounds = array<i64: 32>, scalar_prefetch = 0 : i64, scratch_operands = 1 : i64, tpu.core_type = #tpu.core_type<tc>, window_params = [{pipeline_mode = #tpu.pipeline_mode<synchronous>, transform_indices = @transform_0, window_bounds = array<i64: 2, 512, 16>}, {transform_indices = @transform_1, window_bounds = array<i64: 2, 2048>}, {pipeline_mode = #tpu.pipeline_mode<synchronous>, transform_indices = @transform_2, window_bounds = array<i64: 512, 2>}, {transform_indices = @transform_3, window_bounds = array<i64: 2048>}]} {
    %eq3A = arith.constant 0 : i32
    %eq3A_0 = arith.cmpi eq, %arg0, %eq3A : i32
    %convert_element_type3A = arith.extui %eq3A_0 : i1 to i32
    %cond3A = arith.constant 0 : i32
    %cond3A_1 = arith.cmpi ne, %convert_element_type3A, %cond3A : i32
    scf.if %cond3A_1 {
      %get3A_1237 = arith.constant 0 : index
      %get3A_1238 = arith.constant 0 : index
      %get3A_1239 = arith.constant 0 : index
      %get3A_1240 = vector.load %arg1[%get3A_1237, %get3A_1238, %get3A_1239] : memref<2x512x16xf32, #tpu.memory_space<vmem>>, vector<1x512x16xf32>
      %get3A_1241 = vector.shape_cast %get3A_1240 : vector<1x512x16xf32> to vector<512x16xf32>
      %get3A_1242 = arith.constant 1 : index
      %get3A_1243 = arith.constant 0 : index
      %get3A_1244 = arith.constant 0 : index
      %get3A_1245 = vector.load %arg1[%get3A_1242, %get3A_1243, %get3A_1244] : memref<2x512x16xf32, #tpu.memory_space<vmem>>, vector<1x512x16xf32>
      %get3A_1246 = vector.shape_cast %get3A_1245 : vector<1x512x16xf32> to vector<512x16xf32>
      %add3A_1247 = arith.addf %get3A_1241, %get3A_1246 : vector<512x16xf32>
      %slice3A_1248 = vector.extract_strided_slice %add3A_1247 {offsets = [0, 2], sizes = [512, 1], strides = [1, 1]} : vector<512x16xf32> to vector<512x1xf32>
      %slice3A_1249 = vector.extract_strided_slice %add3A_1247 {offsets = [0, 0], sizes = [512, 1], strides = [1, 1]} : vector<512x16xf32> to vector<512x1xf32>
      %div3A = arith.divf %slice3A_1249, %slice3A_1248 : vector<512x1xf32>
      %slice3A_1250 = vector.extract_strided_slice %add3A_1247 {offsets = [0, 1], sizes = [512, 1], strides = [1, 1]} : vector<512x16xf32> to vector<512x1xf32>
      %div3A_1251 = arith.divf %slice3A_1250, %slice3A_1248 : vector<512x1xf32>
      %concatenate3A = tpu.concatenate %div3A, %div3A_1251 in 1 : vector<512x1xf32>, vector<512x1xf32> -> vector<512x2xf32>
      %swap3A_1252 = arith.constant 0 : index
      %swap3A_1253 = arith.constant 0 : index
      %swap3A_1254 = vector.load %arg5[%swap3A_1252, %swap3A_1253] : memref<512x2xf32, #tpu.memory_space<vmem>>, vector<512x2xf32>
      tpu.vector_store %arg5[%swap3A_1252, %swap3A_1253], %concatenate3A {strides = array<i32>} : memref<512x2xf32, #tpu.memory_space<vmem>>, vector<512x2xf32>,
      %swap3A_1255 = arith.constant 0 : index
      %swap3A_1256 = arith.constant 0 : index
      %swap3A_1257 = vector.load %arg3[%swap3A_1255, %swap3A_1256] : memref<512x2xf32, #tpu.memory_space<vmem>>, vector<512x2xf32>
      tpu.vector_store %arg3[%swap3A_1255, %swap3A_1256], %concatenate3A {strides = array<i32>} : memref<512x2xf32, #tpu.memory_space<vmem>>, vector<512x2xf32>,
    } else {
    }
    %get3A = arith.constant 0 : index
    %get3A_2 = arith.constant 0 : index
    %get3A_3 = vector.load %arg5[%get3A, %get3A_2] : memref<512x2xf32, #tpu.memory_space<vmem>>, vector<512x1xf32>
    %get3A_4 = arith.constant 0 : index
    %get3A_5 = arith.constant 1 : index
    %get3A_6 = vector.load %arg5[%get3A_4, %get3A_5] : memref<512x2xf32, #tpu.memory_space<vmem>>, vector<512x1xf32>
    %get3A_7 = arith.constant 0 : index
    %get3A_8 = arith.constant 0 : index
    %get3A_9 = vector.load %arg2[%get3A_7, %get3A_8] : memref<2x2048xf32, #tpu.memory_space<vmem>>, vector<1x2048xf32>
    %get3A_10 = arith.constant 1 : index
    %get3A_11 = arith.constant 0 : index
    %get3A_12 = vector.load %arg2[%get3A_10, %get3A_11] : memref<2x2048xf32, #tpu.memory_space<vmem>>, vector<1x2048xf32>
    %iota3A = tpu.iota {dimensions = array<i32: 0>} : vector<8x1xi32>
    %convert_element_type3A_13 = arith.sitofp %iota3A : vector<8x1xi32> to vector<8x1xf32>
    %broadcast_in_dim3A = arith.constant 0x7F800000 : f32
    %broadcast_in_dim3A_14 = vector.broadcast %broadcast_in_dim3A : f32 to vector<8x2048xf32>
    %broadcast_in_dim3A_15 = arith.constant 0.000000e+00 : f32
    %broadcast_in_dim3A_16 = vector.broadcast %broadcast_in_dim3A_15 : f32 to vector<8x2048xf32>
    %slice3A = vector.extract_strided_slice %get3A_3 {offsets = [0, 0], sizes = [8, 1], strides = [1, 1]} : vector<512x1xf32> to vector<8x1xf32>
    %slice3A_17 = vector.extract_strided_slice %get3A_6 {offsets = [0, 0], sizes = [8, 1], strides = [1, 1]} : vector<512x1xf32> to vector<8x1xf32>
    %sub3A = vector.broadcast %get3A_9 : vector<1x2048xf32> to vector<8x2048xf32>
    %sub3A_18 = vector.broadcast %slice3A : vector<8x1xf32> to vector<8x2048xf32>
    %sub3A_19 = arith.subf %sub3A, %sub3A_18 : vector<8x2048xf32>
    %sub3A_20 = vector.broadcast %get3A_12 : vector<1x2048xf32> to vector<8x2048xf32>
    %sub3A_21 = vector.broadcast %slice3A_17 : vector<8x1xf32> to vector<8x2048xf32>
    %sub3A_22 = arith.subf %sub3A_20, %sub3A_21 : vector<8x2048xf32>
    %mul3A = arith.mulf %sub3A_19, %sub3A_19 : vector<8x2048xf32>
    %mul3A_23 = arith.mulf %sub3A_22, %sub3A_22 : vector<8x2048xf32>
    %add3A = arith.addf %mul3A, %mul3A_23 : vector<8x2048xf32>
    %lt3A = arith.cmpf olt, %add3A, %broadcast_in_dim3A_14 : vector<8x2048xf32>
    %select_n3A = arith.select %lt3A, %add3A, %broadcast_in_dim3A_14 : vector<8x2048xi1>, vector<8x2048xf32>
    %add3A_24 = arith.constant 0.000000e+00 : f32
    %add3A_25 = vector.broadcast %add3A_24 : f32 to vector<8x1xf32>
    %add3A_26 = arith.addf %convert_element_type3A_13, %add3A_25 : vector<8x1xf32>
    %broadcast_in_dim3A_27 = vector.shape_cast %add3A_26 : vector<8x1xf32> to vector<8x1xf32>
    %broadcast_in_dim3A_28 = vector.broadcast %broadcast_in_dim3A_27 : vector<8x1xf32> to vector<8x2048xf32>
    %select_n3A_29 = arith.select %lt3A, %broadcast_in_dim3A_28, %broadcast_in_dim3A_16 : vector<8x2048xi1>, vector<8x2048xf32>
    %slice3A_30 = vector.extract_strided_slice %get3A_3 {offsets = [8, 0], sizes = [8, 1], strides = [1, 1]} : vector<512x1xf32> to vector<8x1xf32>
    %slice3A_31 = vector.extract_strided_slice %get3A_6 {offsets = [8, 0], sizes = [8, 1], strides = [1, 1]} : vector<512x1xf32> to vector<8x1xf32>
    %sub3A_32 = vector.broadcast %get3A_9 : vector<1x2048xf32> to vector<8x2048xf32>
    %sub3A_33 = vector.broadcast %slice3A_30 : vector<8x1xf32> to vector<8x2048xf32>
    %sub3A_34 = arith.subf %sub3A_32, %sub3A_33 : vector<8x2048xf32>
    %sub3A_35 = vector.broadcast %get3A_12 : vector<1x2048xf32> to vector<8x2048xf32>
    %sub3A_36 = vector.broadcast %slice3A_31 : vector<8x1xf32> to vector<8x2048xf32>
    %sub3A_37 = arith.subf %sub3A_35, %sub3A_36 : vector<8x2048xf32>
    %mul3A_38 = arith.mulf %sub3A_34, %sub3A_34 : vector<8x2048xf32>
    %mul3A_39 = arith.mulf %sub3A_37, %sub3A_37 : vector<8x2048xf32>
    %add3A_40 = arith.addf %mul3A_38, %mul3A_39 : vector<8x2048xf32>
    %lt3A_41 = arith.cmpf olt, %add3A_40, %select_n3A : vector<8x2048xf32>
    %select_n3A_42 = arith.select %lt3A_41, %add3A_40, %select_n3A : vector<8x2048xi1>, vector<8x2048xf32>
    %add3A_43 = arith.constant 8.000000e+00 : f32
    %add3A_44 = vector.broadcast %add3A_43 : f32 to vector<8x1xf32>
    %add3A_45 = arith.addf %convert_element_type3A_13, %add3A_44 : vector<8x1xf32>
    %broadcast_in_dim3A_46 = vector.shape_cast %add3A_45 : vector<8x1xf32> to vector<8x1xf32>
    %broadcast_in_dim3A_47 = vector.broadcast %broadcast_in_dim3A_46 : vector<8x1xf32> to vector<8x2048xf32>
    %select_n3A_48 = arith.select %lt3A_41, %broadcast_in_dim3A_47, %select_n3A_29 : vector<8x2048xi1>, vector<8x2048xf32>
    %slice3A_49 = vector.extract_strided_slice %get3A_3 {offsets = [16, 0], sizes = [8, 1], strides = [1, 1]} : vector<512x1xf32> to vector<8x1xf32>
    %slice3A_50 = vector.extract_strided_slice %get3A_6 {offsets = [16, 0], sizes = [8, 1], strides = [1, 1]} : vector<512x1xf32> to vector<8x1xf32>
    %sub3A_51 = vector.broadcast %get3A_9 : vector<1x2048xf32> to vector<8x2048xf32>
    %sub3A_52 = vector.broadcast %slice3A_49 : vector<8x1xf32> to vector<8x2048xf32>
    %sub3A_53 = arith.subf %sub3A_51, %sub3A_52 : vector<8x2048xf32>
    %sub3A_54 = vector.broadcast %get3A_12 : vector<1x2048xf32> to vector<8x2048xf32>
    %sub3A_55 = vector.broadcast %slice3A_50 : vector<8x1xf32> to vector<8x2048xf32>
    %sub3A_56 = arith.subf %sub3A_54, %sub3A_55 : vector<8x2048xf32>
    %mul3A_57 = arith.mulf %sub3A_53, %sub3A_53 : vector<8x2048xf32>
    %mul3A_58 = arith.mulf %sub3A_56, %sub3A_56 : vector<8x2048xf32>
    %add3A_59 = arith.addf %mul3A_57, %mul3A_58 : vector<8x2048xf32>
    %lt3A_60 = arith.cmpf olt, %add3A_59, %select_n3A_42 : vector<8x2048xf32>
    %select_n3A_61 = arith.select %lt3A_60, %add3A_59, %select_n3A_42 : vector<8x2048xi1>, vector<8x2048xf32>
    %add3A_62 = arith.constant 1.600000e+01 : f32
    %add3A_63 = vector.broadcast %add3A_62 : f32 to vector<8x1xf32>
    %add3A_64 = arith.addf %convert_element_type3A_13, %add3A_63 : vector<8x1xf32>
    %broadcast_in_dim3A_65 = vector.shape_cast %add3A_64 : vector<8x1xf32> to vector<8x1xf32>
    %broadcast_in_dim3A_66 = vector.broadcast %broadcast_in_dim3A_65 : vector<8x1xf32> to vector<8x2048xf32>
    %select_n3A_67 = arith.select %lt3A_60, %broadcast_in_dim3A_66, %select_n3A_48 : vector<8x2048xi1>, vector<8x2048xf32>
    %slice3A_68 = vector.extract_strided_slice %get3A_3 {offsets = [24, 0], sizes = [8, 1], strides = [1, 1]} : vector<512x1xf32> to vector<8x1xf32>
    %slice3A_69 = vector.extract_strided_slice %get3A_6 {offsets = [24, 0], sizes = [8, 1], strides = [1, 1]} : vector<512x1xf32> to vector<8x1xf32>
    %sub3A_70 = vector.broadcast %get3A_9 : vector<1x2048xf32> to vector<8x2048xf32>
    %sub3A_71 = vector.broadcast %slice3A_68 : vector<8x1xf32> to vector<8x2048xf32>
    %sub3A_72 = arith.subf %sub3A_70, %sub3A_71 : vector<8x2048xf32>
    %sub3A_73 = vector.broadcast %get3A_12 : vector<1x2048xf32> to vector<8x2048xf32>
    %sub3A_74 = vector.broadcast %slice3A_69 : vector<8x1xf32> to vector<8x2048xf32>
    %sub3A_75 = arith.subf %sub3A_73, %sub3A_74 : vector<8x2048xf32>
    %mul3A_76 = arith.mulf %sub3A_72, %sub3A_72 : vector<8x2048xf32>
    %mul3A_77 = arith.mulf %sub3A_75, %sub3A_75 : vector<8x2048xf32>
    %add3A_78 = arith.addf %mul3A_76, %mul3A_77 : vector<8x2048xf32>
    %lt3A_79 = arith.cmpf olt, %add3A_78, %select_n3A_61 : vector<8x2048xf32>
    %select_n3A_80 = arith.select %lt3A_79, %add3A_78, %select_n3A_61 : vector<8x2048xi1>, vector<8x2048xf32>
    %add3A_81 = arith.constant 2.400000e+01 : f32
    %add3A_82 = vector.broadcast %add3A_81 : f32 to vector<8x1xf32>
    %add3A_83 = arith.addf %convert_element_type3A_13, %add3A_82 : vector<8x1xf32>
    %broadcast_in_dim3A_84 = vector.shape_cast %add3A_83 : vector<8x1xf32> to vector<8x1xf32>
    %broadcast_in_dim3A_85 = vector.broadcast %broadcast_in_dim3A_84 : vector<8x1xf32> to vector<8x2048xf32>
    %select_n3A_86 = arith.select %lt3A_79, %broadcast_in_dim3A_85, %select_n3A_67 : vector<8x2048xi1>, vector<8x2048xf32>
    %slice3A_87 = vector.extract_strided_slice %get3A_3 {offsets = [32, 0], sizes = [8, 1], strides = [1, 1]} : vector<512x1xf32> to vector<8x1xf32>
    %slice3A_88 = vector.extract_strided_slice %get3A_6 {offsets = [32, 0], sizes = [8, 1], strides = [1, 1]} : vector<512x1xf32> to vector<8x1xf32>
    %sub3A_89 = vector.broadcast %get3A_9 : vector<1x2048xf32> to vector<8x2048xf32>
    %sub3A_90 = vector.broadcast %slice3A_87 : vector<8x1xf32> to vector<8x2048xf32>
    %sub3A_91 = arith.subf %sub3A_89, %sub3A_90 : vector<8x2048xf32>
    %sub3A_92 = vector.broadcast %get3A_12 : vector<1x2048xf32> to vector<8x2048xf32>
    %sub3A_93 = vector.broadcast %slice3A_88 : vector<8x1xf32> to vector<8x2048xf32>
    %sub3A_94 = arith.subf %sub3A_92, %sub3A_93 : vector<8x2048xf32>
    %mul3A_95 = arith.mulf %sub3A_91, %sub3A_91 : vector<8x2048xf32>
    %mul3A_96 = arith.mulf %sub3A_94, %sub3A_94 : vector<8x2048xf32>
    %add3A_97 = arith.addf %mul3A_95, %mul3A_96 : vector<8x2048xf32>
    %lt3A_98 = arith.cmpf olt, %add3A_97, %select_n3A_80 : vector<8x2048xf32>
    %select_n3A_99 = arith.select %lt3A_98, %add3A_97, %select_n3A_80 : vector<8x2048xi1>, vector<8x2048xf32>
    %add3A_100 = arith.constant 3.200000e+01 : f32
    %add3A_101 = vector.broadcast %add3A_100 : f32 to vector<8x1xf32>
    %add3A_102 = arith.addf %convert_element_type3A_13, %add3A_101 : vector<8x1xf32>
    %broadcast_in_dim3A_103 = vector.shape_cast %add3A_102 : vector<8x1xf32> to vector<8x1xf32>
    %broadcast_in_dim3A_104 = vector.broadcast %broadcast_in_dim3A_103 : vector<8x1xf32> to vector<8x2048xf32>
    %select_n3A_105 = arith.select %lt3A_98, %broadcast_in_dim3A_104, %select_n3A_86 : vector<8x2048xi1>, vector<8x2048xf32>
    %slice3A_106 = vector.extract_strided_slice %get3A_3 {offsets = [40, 0], sizes = [8, 1], strides = [1, 1]} : vector<512x1xf32> to vector<8x1xf32>
    %slice3A_107 = vector.extract_strided_slice %get3A_6 {offsets = [40, 0], sizes = [8, 1], strides = [1, 1]} : vector<512x1xf32> to vector<8x1xf32>
    %sub3A_108 = vector.broadcast %get3A_9 : vector<1x2048xf32> to vector<8x2048xf32>
    %sub3A_109 = vector.broadcast %slice3A_106 : vector<8x1xf32> to vector<8x2048xf32>
    %sub3A_110 = arith.subf %sub3A_108, %sub3A_109 : vector<8x2048xf32>
    %sub3A_111 = vector.broadcast %get3A_12 : vector<1x2048xf32> to vector<8x2048xf32>
    %sub3A_112 = vector.broadcast %slice3A_107 : vector<8x1xf32> to vector<8x2048xf32>
    %sub3A_113 = arith.subf %sub3A_111, %sub3A_112 : vector<8x2048xf32>
    %mul3A_114 = arith.mulf %sub3A_110, %sub3A_110 : vector<8x2048xf32>
    %mul3A_115 = arith.mulf %sub3A_113, %sub3A_113 : vector<8x2048xf32>
    %add3A_116 = arith.addf %mul3A_114, %mul3A_115 : vector<8x2048xf32>
    %lt3A_117 = arith.cmpf olt, %add3A_116, %select_n3A_99 : vector<8x2048xf32>
    %select_n3A_118 = arith.select %lt3A_117, %add3A_116, %select_n3A_99 : vector<8x2048xi1>, vector<8x2048xf32>
    %add3A_119 = arith.constant 4.000000e+01 : f32
    %add3A_120 = vector.broadcast %add3A_119 : f32 to vector<8x1xf32>
    %add3A_121 = arith.addf %convert_element_type3A_13, %add3A_120 : vector<8x1xf32>
    %broadcast_in_dim3A_122 = vector.shape_cast %add3A_121 : vector<8x1xf32> to vector<8x1xf32>
    %broadcast_in_dim3A_123 = vector.broadcast %broadcast_in_dim3A_122 : vector<8x1xf32> to vector<8x2048xf32>
    %select_n3A_124 = arith.select %lt3A_117, %broadcast_in_dim3A_123, %select_n3A_105 : vector<8x2048xi1>, vector<8x2048xf32>
    %slice3A_125 = vector.extract_strided_slice %get3A_3 {offsets = [48, 0], sizes = [8, 1], strides = [1, 1]} : vector<512x1xf32> to vector<8x1xf32>
    %slice3A_126 = vector.extract_strided_slice %get3A_6 {offsets = [48, 0], sizes = [8, 1], strides = [1, 1]} : vector<512x1xf32> to vector<8x1xf32>
    %sub3A_127 = vector.broadcast %get3A_9 : vector<1x2048xf32> to vector<8x2048xf32>
    %sub3A_128 = vector.broadcast %slice3A_125 : vector<8x1xf32> to vector<8x2048xf32>
    %sub3A_129 = arith.subf %sub3A_127, %sub3A_128 : vector<8x2048xf32>
    %sub3A_130 = vector.broadcast %get3A_12 : vector<1x2048xf32> to vector<8x2048xf32>
    %sub3A_131 = vector.broadcast %slice3A_126 : vector<8x1xf32> to vector<8x2048xf32>
    %sub3A_132 = arith.subf %sub3A_130, %sub3A_131 : vector<8x2048xf32>
    %mul3A_133 = arith.mulf %sub3A_129, %sub3A_129 : vector<8x2048xf32>
    %mul3A_134 = arith.mulf %sub3A_132, %sub3A_132 : vector<8x2048xf32>
    %add3A_135 = arith.addf %mul3A_133, %mul3A_134 : vector<8x2048xf32>
    %lt3A_136 = arith.cmpf olt, %add3A_135, %select_n3A_118 : vector<8x2048xf32>
    %select_n3A_137 = arith.select %lt3A_136, %add3A_135, %select_n3A_118 : vector<8x2048xi1>, vector<8x2048xf32>
    %add3A_138 = arith.constant 4.800000e+01 : f32
    %add3A_139 = vector.broadcast %add3A_138 : f32 to vector<8x1xf32>
    %add3A_140 = arith.addf %convert_element_type3A_13, %add3A_139 : vector<8x1xf32>
    %broadcast_in_dim3A_141 = vector.shape_cast %add3A_140 : vector<8x1xf32> to vector<8x1xf32>
    %broadcast_in_dim3A_142 = vector.broadcast %broadcast_in_dim3A_141 : vector<8x1xf32> to vector<8x2048xf32>
    %select_n3A_143 = arith.select %lt3A_136, %broadcast_in_dim3A_142, %select_n3A_124 : vector<8x2048xi1>, vector<8x2048xf32>
    %slice3A_144 = vector.extract_strided_slice %get3A_3 {offsets = [56, 0], sizes = [8, 1], strides = [1, 1]} : vector<512x1xf32> to vector<8x1xf32>
    %slice3A_145 = vector.extract_strided_slice %get3A_6 {offsets = [56, 0], sizes = [8, 1], strides = [1, 1]} : vector<512x1xf32> to vector<8x1xf32>
    %sub3A_146 = vector.broadcast %get3A_9 : vector<1x2048xf32> to vector<8x2048xf32>
    %sub3A_147 = vector.broadcast %slice3A_144 : vector<8x1xf32> to vector<8x2048xf32>
    %sub3A_148 = arith.subf %sub3A_146, %sub3A_147 : vector<8x2048xf32>
    %sub3A_149 = vector.broadcast %get3A_12 : vector<1x2048xf32> to vector<8x2048xf32>
    %sub3A_150 = vector.broadcast %slice3A_145 : vector<8x1xf32> to vector<8x2048xf32>
    %sub3A_151 = arith.subf %sub3A_149, %sub3A_150 : vector<8x2048xf32>
    %mul3A_152 = arith.mulf %sub3A_148, %sub3A_148 : vector<8x2048xf32>
    %mul3A_153 = arith.mulf %sub3A_151, %sub3A_151 : vector<8x2048xf32>
    %add3A_154 = arith.addf %mul3A_152, %mul3A_153 : vector<8x2048xf32>
    %lt3A_155 = arith.cmpf olt, %add3A_154, %select_n3A_137 : vector<8x2048xf32>
    %select_n3A_156 = arith.select %lt3A_155, %add3A_154, %select_n3A_137 : vector<8x2048xi1>, vector<8x2048xf32>
    %add3A_157 = arith.constant 5.600000e+01 : f32
    %add3A_158 = vector.broadcast %add3A_157 : f32 to vector<8x1xf32>
    %add3A_159 = arith.addf %convert_element_type3A_13, %add3A_158 : vector<8x1xf32>
    %broadcast_in_dim3A_160 = vector.shape_cast %add3A_159 : vector<8x1xf32> to vector<8x1xf32>
    %broadcast_in_dim3A_161 = vector.broadcast %broadcast_in_dim3A_160 : vector<8x1xf32> to vector<8x2048xf32>
    %select_n3A_162 = arith.select %lt3A_155, %broadcast_in_dim3A_161, %select_n3A_143 : vector<8x2048xi1>, vector<8x2048xf32>
    %slice3A_163 = vector.extract_strided_slice %get3A_3 {offsets = [64, 0], sizes = [8, 1], strides = [1, 1]} : vector<512x1xf32> to vector<8x1xf32>
    %slice3A_164 = vector.extract_strided_slice %get3A_6 {offsets = [64, 0], sizes = [8, 1], strides = [1, 1]} : vector<512x1xf32> to vector<8x1xf32>
    %sub3A_165 = vector.broadcast %get3A_9 : vector<1x2048xf32> to vector<8x2048xf32>
    %sub3A_166 = vector.broadcast %slice3A_163 : vector<8x1xf32> to vector<8x2048xf32>
    %sub3A_167 = arith.subf %sub3A_165, %sub3A_166 : vector<8x2048xf32>
    %sub3A_168 = vector.broadcast %get3A_12 : vector<1x2048xf32> to vector<8x2048xf32>
    %sub3A_169 = vector.broadcast %slice3A_164 : vector<8x1xf32> to vector<8x2048xf32>
    %sub3A_170 = arith.subf %sub3A_168, %sub3A_169 : vector<8x2048xf32>
    %mul3A_171 = arith.mulf %sub3A_167, %sub3A_167 : vector<8x2048xf32>
    %mul3A_172 = arith.mulf %sub3A_170, %sub3A_170 : vector<8x2048xf32>
    %add3A_173 = arith.addf %mul3A_171, %mul3A_172 : vector<8x2048xf32>
    %lt3A_174 = arith.cmpf olt, %add3A_173, %select_n3A_156 : vector<8x2048xf32>
    %select_n3A_175 = arith.select %lt3A_174, %add3A_173, %select_n3A_156 : vector<8x2048xi1>, vector<8x2048xf32>
    %add3A_176 = arith.constant 6.400000e+01 : f32
    %add3A_177 = vector.broadcast %add3A_176 : f32 to vector<8x1xf32>
    %add3A_178 = arith.addf %convert_element_type3A_13, %add3A_177 : vector<8x1xf32>
    %broadcast_in_dim3A_179 = vector.shape_cast %add3A_178 : vector<8x1xf32> to vector<8x1xf32>
    %broadcast_in_dim3A_180 = vector.broadcast %broadcast_in_dim3A_179 : vector<8x1xf32> to vector<8x2048xf32>
    %select_n3A_181 = arith.select %lt3A_174, %broadcast_in_dim3A_180, %select_n3A_162 : vector<8x2048xi1>, vector<8x2048xf32>
    %slice3A_182 = vector.extract_strided_slice %get3A_3 {offsets = [72, 0], sizes = [8, 1], strides = [1, 1]} : vector<512x1xf32> to vector<8x1xf32>
    %slice3A_183 = vector.extract_strided_slice %get3A_6 {offsets = [72, 0], sizes = [8, 1], strides = [1, 1]} : vector<512x1xf32> to vector<8x1xf32>
    %sub3A_184 = vector.broadcast %get3A_9 : vector<1x2048xf32> to vector<8x2048xf32>
    %sub3A_185 = vector.broadcast %slice3A_182 : vector<8x1xf32> to vector<8x2048xf32>
    %sub3A_186 = arith.subf %sub3A_184, %sub3A_185 : vector<8x2048xf32>
    %sub3A_187 = vector.broadcast %get3A_12 : vector<1x2048xf32> to vector<8x2048xf32>
    %sub3A_188 = vector.broadcast %slice3A_183 : vector<8x1xf32> to vector<8x2048xf32>
    %sub3A_189 = arith.subf %sub3A_187, %sub3A_188 : vector<8x2048xf32>
    %mul3A_190 = arith.mulf %sub3A_186, %sub3A_186 : vector<8x2048xf32>
    %mul3A_191 = arith.mulf %sub3A_189, %sub3A_189 : vector<8x2048xf32>
    %add3A_192 = arith.addf %mul3A_190, %mul3A_191 : vector<8x2048xf32>
    %lt3A_193 = arith.cmpf olt, %add3A_192, %select_n3A_175 : vector<8x2048xf32>
    %select_n3A_194 = arith.select %lt3A_193, %add3A_192, %select_n3A_175 : vector<8x2048xi1>, vector<8x2048xf32>
    %add3A_195 = arith.constant 7.200000e+01 : f32
    %add3A_196 = vector.broadcast %add3A_195 : f32 to vector<8x1xf32>
    %add3A_197 = arith.addf %convert_element_type3A_13, %add3A_196 : vector<8x1xf32>
    %broadcast_in_dim3A_198 = vector.shape_cast %add3A_197 : vector<8x1xf32> to vector<8x1xf32>
    %broadcast_in_dim3A_199 = vector.broadcast %broadcast_in_dim3A_198 : vector<8x1xf32> to vector<8x2048xf32>
    %select_n3A_200 = arith.select %lt3A_193, %broadcast_in_dim3A_199, %select_n3A_181 : vector<8x2048xi1>, vector<8x2048xf32>
    %slice3A_201 = vector.extract_strided_slice %get3A_3 {offsets = [80, 0], sizes = [8, 1], strides = [1, 1]} : vector<512x1xf32> to vector<8x1xf32>
    %slice3A_202 = vector.extract_strided_slice %get3A_6 {offsets = [80, 0], sizes = [8, 1], strides = [1, 1]} : vector<512x1xf32> to vector<8x1xf32>
    %sub3A_203 = vector.broadcast %get3A_9 : vector<1x2048xf32> to vector<8x2048xf32>
    %sub3A_204 = vector.broadcast %slice3A_201 : vector<8x1xf32> to vector<8x2048xf32>
    %sub3A_205 = arith.subf %sub3A_203, %sub3A_204 : vector<8x2048xf32>
    %sub3A_206 = vector.broadcast %get3A_12 : vector<1x2048xf32> to vector<8x2048xf32>
    %sub3A_207 = vector.broadcast %slice3A_202 : vector<8x1xf32> to vector<8x2048xf32>
    %sub3A_208 = arith.subf %sub3A_206, %sub3A_207 : vector<8x2048xf32>
    %mul3A_209 = arith.mulf %sub3A_205, %sub3A_205 : vector<8x2048xf32>
    %mul3A_210 = arith.mulf %sub3A_208, %sub3A_208 : vector<8x2048xf32>
    %add3A_211 = arith.addf %mul3A_209, %mul3A_210 : vector<8x2048xf32>
    %lt3A_212 = arith.cmpf olt, %add3A_211, %select_n3A_194 : vector<8x2048xf32>
    %select_n3A_213 = arith.select %lt3A_212, %add3A_211, %select_n3A_194 : vector<8x2048xi1>, vector<8x2048xf32>
    %add3A_214 = arith.constant 8.000000e+01 : f32
    %add3A_215 = vector.broadcast %add3A_214 : f32 to vector<8x1xf32>
    %add3A_216 = arith.addf %convert_element_type3A_13, %add3A_215 : vector<8x1xf32>
    %broadcast_in_dim3A_217 = vector.shape_cast %add3A_216 : vector<8x1xf32> to vector<8x1xf32>
    %broadcast_in_dim3A_218 = vector.broadcast %broadcast_in_dim3A_217 : vector<8x1xf32> to vector<8x2048xf32>
    %select_n3A_219 = arith.select %lt3A_212, %broadcast_in_dim3A_218, %select_n3A_200 : vector<8x2048xi1>, vector<8x2048xf32>
    %slice3A_220 = vector.extract_strided_slice %get3A_3 {offsets = [88, 0], sizes = [8, 1], strides = [1, 1]} : vector<512x1xf32> to vector<8x1xf32>
    %slice3A_221 = vector.extract_strided_slice %get3A_6 {offsets = [88, 0], sizes = [8, 1], strides = [1, 1]} : vector<512x1xf32> to vector<8x1xf32>
    %sub3A_222 = vector.broadcast %get3A_9 : vector<1x2048xf32> to vector<8x2048xf32>
    %sub3A_223 = vector.broadcast %slice3A_220 : vector<8x1xf32> to vector<8x2048xf32>
    %sub3A_224 = arith.subf %sub3A_222, %sub3A_223 : vector<8x2048xf32>
    %sub3A_225 = vector.broadcast %get3A_12 : vector<1x2048xf32> to vector<8x2048xf32>
    %sub3A_226 = vector.broadcast %slice3A_221 : vector<8x1xf32> to vector<8x2048xf32>
    %sub3A_227 = arith.subf %sub3A_225, %sub3A_226 : vector<8x2048xf32>
    %mul3A_228 = arith.mulf %sub3A_224, %sub3A_224 : vector<8x2048xf32>
    %mul3A_229 = arith.mulf %sub3A_227, %sub3A_227 : vector<8x2048xf32>
    %add3A_230 = arith.addf %mul3A_228, %mul3A_229 : vector<8x2048xf32>
    %lt3A_231 = arith.cmpf olt, %add3A_230, %select_n3A_213 : vector<8x2048xf32>
    %select_n3A_232 = arith.select %lt3A_231, %add3A_230, %select_n3A_213 : vector<8x2048xi1>, vector<8x2048xf32>
    %add3A_233 = arith.constant 8.800000e+01 : f32
    %add3A_234 = vector.broadcast %add3A_233 : f32 to vector<8x1xf32>
    %add3A_235 = arith.addf %convert_element_type3A_13, %add3A_234 : vector<8x1xf32>
    %broadcast_in_dim3A_236 = vector.shape_cast %add3A_235 : vector<8x1xf32> to vector<8x1xf32>
    %broadcast_in_dim3A_237 = vector.broadcast %broadcast_in_dim3A_236 : vector<8x1xf32> to vector<8x2048xf32>
    %select_n3A_238 = arith.select %lt3A_231, %broadcast_in_dim3A_237, %select_n3A_219 : vector<8x2048xi1>, vector<8x2048xf32>
    %slice3A_239 = vector.extract_strided_slice %get3A_3 {offsets = [96, 0], sizes = [8, 1], strides = [1, 1]} : vector<512x1xf32> to vector<8x1xf32>
    %slice3A_240 = vector.extract_strided_slice %get3A_6 {offsets = [96, 0], sizes = [8, 1], strides = [1, 1]} : vector<512x1xf32> to vector<8x1xf32>
    %sub3A_241 = vector.broadcast %get3A_9 : vector<1x2048xf32> to vector<8x2048xf32>
    %sub3A_242 = vector.broadcast %slice3A_239 : vector<8x1xf32> to vector<8x2048xf32>
    %sub3A_243 = arith.subf %sub3A_241, %sub3A_242 : vector<8x2048xf32>
    %sub3A_244 = vector.broadcast %get3A_12 : vector<1x2048xf32> to vector<8x2048xf32>
    %sub3A_245 = vector.broadcast %slice3A_240 : vector<8x1xf32> to vector<8x2048xf32>
    %sub3A_246 = arith.subf %sub3A_244, %sub3A_245 : vector<8x2048xf32>
    %mul3A_247 = arith.mulf %sub3A_243, %sub3A_243 : vector<8x2048xf32>
    %mul3A_248 = arith.mulf %sub3A_246, %sub3A_246 : vector<8x2048xf32>
    %add3A_249 = arith.addf %mul3A_247, %mul3A_248 : vector<8x2048xf32>
    %lt3A_250 = arith.cmpf olt, %add3A_249, %select_n3A_232 : vector<8x2048xf32>
    %select_n3A_251 = arith.select %lt3A_250, %add3A_249, %select_n3A_232 : vector<8x2048xi1>, vector<8x2048xf32>
    %add3A_252 = arith.constant 9.600000e+01 : f32
    %add3A_253 = vector.broadcast %add3A_252 : f32 to vector<8x1xf32>
    %add3A_254 = arith.addf %convert_element_type3A_13, %add3A_253 : vector<8x1xf32>
    %broadcast_in_dim3A_255 = vector.shape_cast %add3A_254 : vector<8x1xf32> to vector<8x1xf32>
    %broadcast_in_dim3A_256 = vector.broadcast %broadcast_in_dim3A_255 : vector<8x1xf32> to vector<8x2048xf32>
    %select_n3A_257 = arith.select %lt3A_250, %broadcast_in_dim3A_256, %select_n3A_238 : vector<8x2048xi1>, vector<8x2048xf32>
    %slice3A_258 = vector.extract_strided_slice %get3A_3 {offsets = [104, 0], sizes = [8, 1], strides = [1, 1]} : vector<512x1xf32> to vector<8x1xf32>
    %slice3A_259 = vector.extract_strided_slice %get3A_6 {offsets = [104, 0], sizes = [8, 1], strides = [1, 1]} : vector<512x1xf32> to vector<8x1xf32>
    %sub3A_260 = vector.broadcast %get3A_9 : vector<1x2048xf32> to vector<8x2048xf32>
    %sub3A_261 = vector.broadcast %slice3A_258 : vector<8x1xf32> to vector<8x2048xf32>
    %sub3A_262 = arith.subf %sub3A_260, %sub3A_261 : vector<8x2048xf32>
    %sub3A_263 = vector.broadcast %get3A_12 : vector<1x2048xf32> to vector<8x2048xf32>
    %sub3A_264 = vector.broadcast %slice3A_259 : vector<8x1xf32> to vector<8x2048xf32>
    %sub3A_265 = arith.subf %sub3A_263, %sub3A_264 : vector<8x2048xf32>
    %mul3A_266 = arith.mulf %sub3A_262, %sub3A_262 : vector<8x2048xf32>
    %mul3A_267 = arith.mulf %sub3A_265, %sub3A_265 : vector<8x2048xf32>
    %add3A_268 = arith.addf %mul3A_266, %mul3A_267 : vector<8x2048xf32>
    %lt3A_269 = arith.cmpf olt, %add3A_268, %select_n3A_251 : vector<8x2048xf32>
    %select_n3A_270 = arith.select %lt3A_269, %add3A_268, %select_n3A_251 : vector<8x2048xi1>, vector<8x2048xf32>
    %add3A_271 = arith.constant 1.040000e+02 : f32
    %add3A_272 = vector.broadcast %add3A_271 : f32 to vector<8x1xf32>
    %add3A_273 = arith.addf %convert_element_type3A_13, %add3A_272 : vector<8x1xf32>
    %broadcast_in_dim3A_274 = vector.shape_cast %add3A_273 : vector<8x1xf32> to vector<8x1xf32>
    %broadcast_in_dim3A_275 = vector.broadcast %broadcast_in_dim3A_274 : vector<8x1xf32> to vector<8x2048xf32>
    %select_n3A_276 = arith.select %lt3A_269, %broadcast_in_dim3A_275, %select_n3A_257 : vector<8x2048xi1>, vector<8x2048xf32>
    %slice3A_277 = vector.extract_strided_slice %get3A_3 {offsets = [112, 0], sizes = [8, 1], strides = [1, 1]} : vector<512x1xf32> to vector<8x1xf32>
    %slice3A_278 = vector.extract_strided_slice %get3A_6 {offsets = [112, 0], sizes = [8, 1], strides = [1, 1]} : vector<512x1xf32> to vector<8x1xf32>
    %sub3A_279 = vector.broadcast %get3A_9 : vector<1x2048xf32> to vector<8x2048xf32>
    %sub3A_280 = vector.broadcast %slice3A_277 : vector<8x1xf32> to vector<8x2048xf32>
    %sub3A_281 = arith.subf %sub3A_279, %sub3A_280 : vector<8x2048xf32>
    %sub3A_282 = vector.broadcast %get3A_12 : vector<1x2048xf32> to vector<8x2048xf32>
    %sub3A_283 = vector.broadcast %slice3A_278 : vector<8x1xf32> to vector<8x2048xf32>
    %sub3A_284 = arith.subf %sub3A_282, %sub3A_283 : vector<8x2048xf32>
    %mul3A_285 = arith.mulf %sub3A_281, %sub3A_281 : vector<8x2048xf32>
    %mul3A_286 = arith.mulf %sub3A_284, %sub3A_284 : vector<8x2048xf32>
    %add3A_287 = arith.addf %mul3A_285, %mul3A_286 : vector<8x2048xf32>
    %lt3A_288 = arith.cmpf olt, %add3A_287, %select_n3A_270 : vector<8x2048xf32>
    %select_n3A_289 = arith.select %lt3A_288, %add3A_287, %select_n3A_270 : vector<8x2048xi1>, vector<8x2048xf32>
    %add3A_290 = arith.constant 1.120000e+02 : f32
    %add3A_291 = vector.broadcast %add3A_290 : f32 to vector<8x1xf32>
    %add3A_292 = arith.addf %convert_element_type3A_13, %add3A_291 : vector<8x1xf32>
    %broadcast_in_dim3A_293 = vector.shape_cast %add3A_292 : vector<8x1xf32> to vector<8x1xf32>
    %broadcast_in_dim3A_294 = vector.broadcast %broadcast_in_dim3A_293 : vector<8x1xf32> to vector<8x2048xf32>
    %select_n3A_295 = arith.select %lt3A_288, %broadcast_in_dim3A_294, %select_n3A_276 : vector<8x2048xi1>, vector<8x2048xf32>
    %slice3A_296 = vector.extract_strided_slice %get3A_3 {offsets = [120, 0], sizes = [8, 1], strides = [1, 1]} : vector<512x1xf32> to vector<8x1xf32>
    %slice3A_297 = vector.extract_strided_slice %get3A_6 {offsets = [120, 0], sizes = [8, 1], strides = [1, 1]} : vector<512x1xf32> to vector<8x1xf32>
    %sub3A_298 = vector.broadcast %get3A_9 : vector<1x2048xf32> to vector<8x2048xf32>
    %sub3A_299 = vector.broadcast %slice3A_296 : vector<8x1xf32> to vector<8x2048xf32>
    %sub3A_300 = arith.subf %sub3A_298, %sub3A_299 : vector<8x2048xf32>
    %sub3A_301 = vector.broadcast %get3A_12 : vector<1x2048xf32> to vector<8x2048xf32>
    %sub3A_302 = vector.broadcast %slice3A_297 : vector<8x1xf32> to vector<8x2048xf32>
    %sub3A_303 = arith.subf %sub3A_301, %sub3A_302 : vector<8x2048xf32>
    %mul3A_304 = arith.mulf %sub3A_300, %sub3A_300 : vector<8x2048xf32>
    %mul3A_305 = arith.mulf %sub3A_303, %sub3A_303 : vector<8x2048xf32>
    %add3A_306 = arith.addf %mul3A_304, %mul3A_305 : vector<8x2048xf32>
    %lt3A_307 = arith.cmpf olt, %add3A_306, %select_n3A_289 : vector<8x2048xf32>
    %select_n3A_308 = arith.select %lt3A_307, %add3A_306, %select_n3A_289 : vector<8x2048xi1>, vector<8x2048xf32>
    %add3A_309 = arith.constant 1.200000e+02 : f32
    %add3A_310 = vector.broadcast %add3A_309 : f32 to vector<8x1xf32>
    %add3A_311 = arith.addf %convert_element_type3A_13, %add3A_310 : vector<8x1xf32>
    %broadcast_in_dim3A_312 = vector.shape_cast %add3A_311 : vector<8x1xf32> to vector<8x1xf32>
    %broadcast_in_dim3A_313 = vector.broadcast %broadcast_in_dim3A_312 : vector<8x1xf32> to vector<8x2048xf32>
    %select_n3A_314 = arith.select %lt3A_307, %broadcast_in_dim3A_313, %select_n3A_295 : vector<8x2048xi1>, vector<8x2048xf32>
    %slice3A_315 = vector.extract_strided_slice %get3A_3 {offsets = [128, 0], sizes = [8, 1], strides = [1, 1]} : vector<512x1xf32> to vector<8x1xf32>
    %slice3A_316 = vector.extract_strided_slice %get3A_6 {offsets = [128, 0], sizes = [8, 1], strides = [1, 1]} : vector<512x1xf32> to vector<8x1xf32>
    %sub3A_317 = vector.broadcast %get3A_9 : vector<1x2048xf32> to vector<8x2048xf32>
    %sub3A_318 = vector.broadcast %slice3A_315 : vector<8x1xf32> to vector<8x2048xf32>
    %sub3A_319 = arith.subf %sub3A_317, %sub3A_318 : vector<8x2048xf32>
    %sub3A_320 = vector.broadcast %get3A_12 : vector<1x2048xf32> to vector<8x2048xf32>
    %sub3A_321 = vector.broadcast %slice3A_316 : vector<8x1xf32> to vector<8x2048xf32>
    %sub3A_322 = arith.subf %sub3A_320, %sub3A_321 : vector<8x2048xf32>
    %mul3A_323 = arith.mulf %sub3A_319, %sub3A_319 : vector<8x2048xf32>
    %mul3A_324 = arith.mulf %sub3A_322, %sub3A_322 : vector<8x2048xf32>
    %add3A_325 = arith.addf %mul3A_323, %mul3A_324 : vector<8x2048xf32>
    %lt3A_326 = arith.cmpf olt, %add3A_325, %select_n3A_308 : vector<8x2048xf32>
    %select_n3A_327 = arith.select %lt3A_326, %add3A_325, %select_n3A_308 : vector<8x2048xi1>, vector<8x2048xf32>
    %add3A_328 = arith.constant 1.280000e+02 : f32
    %add3A_329 = vector.broadcast %add3A_328 : f32 to vector<8x1xf32>
    %add3A_330 = arith.addf %convert_element_type3A_13, %add3A_329 : vector<8x1xf32>
    %broadcast_in_dim3A_331 = vector.shape_cast %add3A_330 : vector<8x1xf32> to vector<8x1xf32>
    %broadcast_in_dim3A_332 = vector.broadcast %broadcast_in_dim3A_331 : vector<8x1xf32> to vector<8x2048xf32>
    %select_n3A_333 = arith.select %lt3A_326, %broadcast_in_dim3A_332, %select_n3A_314 : vector<8x2048xi1>, vector<8x2048xf32>
    %slice3A_334 = vector.extract_strided_slice %get3A_3 {offsets = [136, 0], sizes = [8, 1], strides = [1, 1]} : vector<512x1xf32> to vector<8x1xf32>
    %slice3A_335 = vector.extract_strided_slice %get3A_6 {offsets = [136, 0], sizes = [8, 1], strides = [1, 1]} : vector<512x1xf32> to vector<8x1xf32>
    %sub3A_336 = vector.broadcast %get3A_9 : vector<1x2048xf32> to vector<8x2048xf32>
    %sub3A_337 = vector.broadcast %slice3A_334 : vector<8x1xf32> to vector<8x2048xf32>
    %sub3A_338 = arith.subf %sub3A_336, %sub3A_337 : vector<8x2048xf32>
    %sub3A_339 = vector.broadcast %get3A_12 : vector<1x2048xf32> to vector<8x2048xf32>
    %sub3A_340 = vector.broadcast %slice3A_335 : vector<8x1xf32> to vector<8x2048xf32>
    %sub3A_341 = arith.subf %sub3A_339, %sub3A_340 : vector<8x2048xf32>
    %mul3A_342 = arith.mulf %sub3A_338, %sub3A_338 : vector<8x2048xf32>
    %mul3A_343 = arith.mulf %sub3A_341, %sub3A_341 : vector<8x2048xf32>
    %add3A_344 = arith.addf %mul3A_342, %mul3A_343 : vector<8x2048xf32>
    %lt3A_345 = arith.cmpf olt, %add3A_344, %select_n3A_327 : vector<8x2048xf32>
    %select_n3A_346 = arith.select %lt3A_345, %add3A_344, %select_n3A_327 : vector<8x2048xi1>, vector<8x2048xf32>
    %add3A_347 = arith.constant 1.360000e+02 : f32
    %add3A_348 = vector.broadcast %add3A_347 : f32 to vector<8x1xf32>
    %add3A_349 = arith.addf %convert_element_type3A_13, %add3A_348 : vector<8x1xf32>
    %broadcast_in_dim3A_350 = vector.shape_cast %add3A_349 : vector<8x1xf32> to vector<8x1xf32>
    %broadcast_in_dim3A_351 = vector.broadcast %broadcast_in_dim3A_350 : vector<8x1xf32> to vector<8x2048xf32>
    %select_n3A_352 = arith.select %lt3A_345, %broadcast_in_dim3A_351, %select_n3A_333 : vector<8x2048xi1>, vector<8x2048xf32>
    %slice3A_353 = vector.extract_strided_slice %get3A_3 {offsets = [144, 0], sizes = [8, 1], strides = [1, 1]} : vector<512x1xf32> to vector<8x1xf32>
    %slice3A_354 = vector.extract_strided_slice %get3A_6 {offsets = [144, 0], sizes = [8, 1], strides = [1, 1]} : vector<512x1xf32> to vector<8x1xf32>
    %sub3A_355 = vector.broadcast %get3A_9 : vector<1x2048xf32> to vector<8x2048xf32>
    %sub3A_356 = vector.broadcast %slice3A_353 : vector<8x1xf32> to vector<8x2048xf32>
    %sub3A_357 = arith.subf %sub3A_355, %sub3A_356 : vector<8x2048xf32>
    %sub3A_358 = vector.broadcast %get3A_12 : vector<1x2048xf32> to vector<8x2048xf32>
    %sub3A_359 = vector.broadcast %slice3A_354 : vector<8x1xf32> to vector<8x2048xf32>
    %sub3A_360 = arith.subf %sub3A_358, %sub3A_359 : vector<8x2048xf32>
    %mul3A_361 = arith.mulf %sub3A_357, %sub3A_357 : vector<8x2048xf32>
    %mul3A_362 = arith.mulf %sub3A_360, %sub3A_360 : vector<8x2048xf32>
    %add3A_363 = arith.addf %mul3A_361, %mul3A_362 : vector<8x2048xf32>
    %lt3A_364 = arith.cmpf olt, %add3A_363, %select_n3A_346 : vector<8x2048xf32>
    %select_n3A_365 = arith.select %lt3A_364, %add3A_363, %select_n3A_346 : vector<8x2048xi1>, vector<8x2048xf32>
    %add3A_366 = arith.constant 1.440000e+02 : f32
    %add3A_367 = vector.broadcast %add3A_366 : f32 to vector<8x1xf32>
    %add3A_368 = arith.addf %convert_element_type3A_13, %add3A_367 : vector<8x1xf32>
    %broadcast_in_dim3A_369 = vector.shape_cast %add3A_368 : vector<8x1xf32> to vector<8x1xf32>
    %broadcast_in_dim3A_370 = vector.broadcast %broadcast_in_dim3A_369 : vector<8x1xf32> to vector<8x2048xf32>
    %select_n3A_371 = arith.select %lt3A_364, %broadcast_in_dim3A_370, %select_n3A_352 : vector<8x2048xi1>, vector<8x2048xf32>
    %slice3A_372 = vector.extract_strided_slice %get3A_3 {offsets = [152, 0], sizes = [8, 1], strides = [1, 1]} : vector<512x1xf32> to vector<8x1xf32>
    %slice3A_373 = vector.extract_strided_slice %get3A_6 {offsets = [152, 0], sizes = [8, 1], strides = [1, 1]} : vector<512x1xf32> to vector<8x1xf32>
    %sub3A_374 = vector.broadcast %get3A_9 : vector<1x2048xf32> to vector<8x2048xf32>
    %sub3A_375 = vector.broadcast %slice3A_372 : vector<8x1xf32> to vector<8x2048xf32>
    %sub3A_376 = arith.subf %sub3A_374, %sub3A_375 : vector<8x2048xf32>
    %sub3A_377 = vector.broadcast %get3A_12 : vector<1x2048xf32> to vector<8x2048xf32>
    %sub3A_378 = vector.broadcast %slice3A_373 : vector<8x1xf32> to vector<8x2048xf32>
    %sub3A_379 = arith.subf %sub3A_377, %sub3A_378 : vector<8x2048xf32>
    %mul3A_380 = arith.mulf %sub3A_376, %sub3A_376 : vector<8x2048xf32>
    %mul3A_381 = arith.mulf %sub3A_379, %sub3A_379 : vector<8x2048xf32>
    %add3A_382 = arith.addf %mul3A_380, %mul3A_381 : vector<8x2048xf32>
    %lt3A_383 = arith.cmpf olt, %add3A_382, %select_n3A_365 : vector<8x2048xf32>
    %select_n3A_384 = arith.select %lt3A_383, %add3A_382, %select_n3A_365 : vector<8x2048xi1>, vector<8x2048xf32>
    %add3A_385 = arith.constant 1.520000e+02 : f32
    %add3A_386 = vector.broadcast %add3A_385 : f32 to vector<8x1xf32>
    %add3A_387 = arith.addf %convert_element_type3A_13, %add3A_386 : vector<8x1xf32>
    %broadcast_in_dim3A_388 = vector.shape_cast %add3A_387 : vector<8x1xf32> to vector<8x1xf32>
    %broadcast_in_dim3A_389 = vector.broadcast %broadcast_in_dim3A_388 : vector<8x1xf32> to vector<8x2048xf32>
    %select_n3A_390 = arith.select %lt3A_383, %broadcast_in_dim3A_389, %select_n3A_371 : vector<8x2048xi1>, vector<8x2048xf32>
    %slice3A_391 = vector.extract_strided_slice %get3A_3 {offsets = [160, 0], sizes = [8, 1], strides = [1, 1]} : vector<512x1xf32> to vector<8x1xf32>
    %slice3A_392 = vector.extract_strided_slice %get3A_6 {offsets = [160, 0], sizes = [8, 1], strides = [1, 1]} : vector<512x1xf32> to vector<8x1xf32>
    %sub3A_393 = vector.broadcast %get3A_9 : vector<1x2048xf32> to vector<8x2048xf32>
    %sub3A_394 = vector.broadcast %slice3A_391 : vector<8x1xf32> to vector<8x2048xf32>
    %sub3A_395 = arith.subf %sub3A_393, %sub3A_394 : vector<8x2048xf32>
    %sub3A_396 = vector.broadcast %get3A_12 : vector<1x2048xf32> to vector<8x2048xf32>
    %sub3A_397 = vector.broadcast %slice3A_392 : vector<8x1xf32> to vector<8x2048xf32>
    %sub3A_398 = arith.subf %sub3A_396, %sub3A_397 : vector<8x2048xf32>
    %mul3A_399 = arith.mulf %sub3A_395, %sub3A_395 : vector<8x2048xf32>
    %mul3A_400 = arith.mulf %sub3A_398, %sub3A_398 : vector<8x2048xf32>
    %add3A_401 = arith.addf %mul3A_399, %mul3A_400 : vector<8x2048xf32>
    %lt3A_402 = arith.cmpf olt, %add3A_401, %select_n3A_384 : vector<8x2048xf32>
    %select_n3A_403 = arith.select %lt3A_402, %add3A_401, %select_n3A_384 : vector<8x2048xi1>, vector<8x2048xf32>
    %add3A_404 = arith.constant 1.600000e+02 : f32
    %add3A_405 = vector.broadcast %add3A_404 : f32 to vector<8x1xf32>
    %add3A_406 = arith.addf %convert_element_type3A_13, %add3A_405 : vector<8x1xf32>
    %broadcast_in_dim3A_407 = vector.shape_cast %add3A_406 : vector<8x1xf32> to vector<8x1xf32>
    %broadcast_in_dim3A_408 = vector.broadcast %broadcast_in_dim3A_407 : vector<8x1xf32> to vector<8x2048xf32>
    %select_n3A_409 = arith.select %lt3A_402, %broadcast_in_dim3A_408, %select_n3A_390 : vector<8x2048xi1>, vector<8x2048xf32>
    %slice3A_410 = vector.extract_strided_slice %get3A_3 {offsets = [168, 0], sizes = [8, 1], strides = [1, 1]} : vector<512x1xf32> to vector<8x1xf32>
    %slice3A_411 = vector.extract_strided_slice %get3A_6 {offsets = [168, 0], sizes = [8, 1], strides = [1, 1]} : vector<512x1xf32> to vector<8x1xf32>
    %sub3A_412 = vector.broadcast %get3A_9 : vector<1x2048xf32> to vector<8x2048xf32>
    %sub3A_413 = vector.broadcast %slice3A_410 : vector<8x1xf32> to vector<8x2048xf32>
    %sub3A_414 = arith.subf %sub3A_412, %sub3A_413 : vector<8x2048xf32>
    %sub3A_415 = vector.broadcast %get3A_12 : vector<1x2048xf32> to vector<8x2048xf32>
    %sub3A_416 = vector.broadcast %slice3A_411 : vector<8x1xf32> to vector<8x2048xf32>
    %sub3A_417 = arith.subf %sub3A_415, %sub3A_416 : vector<8x2048xf32>
    %mul3A_418 = arith.mulf %sub3A_414, %sub3A_414 : vector<8x2048xf32>
    %mul3A_419 = arith.mulf %sub3A_417, %sub3A_417 : vector<8x2048xf32>
    %add3A_420 = arith.addf %mul3A_418, %mul3A_419 : vector<8x2048xf32>
    %lt3A_421 = arith.cmpf olt, %add3A_420, %select_n3A_403 : vector<8x2048xf32>
    %select_n3A_422 = arith.select %lt3A_421, %add3A_420, %select_n3A_403 : vector<8x2048xi1>, vector<8x2048xf32>
    %add3A_423 = arith.constant 1.680000e+02 : f32
    %add3A_424 = vector.broadcast %add3A_423 : f32 to vector<8x1xf32>
    %add3A_425 = arith.addf %convert_element_type3A_13, %add3A_424 : vector<8x1xf32>
    %broadcast_in_dim3A_426 = vector.shape_cast %add3A_425 : vector<8x1xf32> to vector<8x1xf32>
    %broadcast_in_dim3A_427 = vector.broadcast %broadcast_in_dim3A_426 : vector<8x1xf32> to vector<8x2048xf32>
    %select_n3A_428 = arith.select %lt3A_421, %broadcast_in_dim3A_427, %select_n3A_409 : vector<8x2048xi1>, vector<8x2048xf32>
    %slice3A_429 = vector.extract_strided_slice %get3A_3 {offsets = [176, 0], sizes = [8, 1], strides = [1, 1]} : vector<512x1xf32> to vector<8x1xf32>
    %slice3A_430 = vector.extract_strided_slice %get3A_6 {offsets = [176, 0], sizes = [8, 1], strides = [1, 1]} : vector<512x1xf32> to vector<8x1xf32>
    %sub3A_431 = vector.broadcast %get3A_9 : vector<1x2048xf32> to vector<8x2048xf32>
    %sub3A_432 = vector.broadcast %slice3A_429 : vector<8x1xf32> to vector<8x2048xf32>
    %sub3A_433 = arith.subf %sub3A_431, %sub3A_432 : vector<8x2048xf32>
    %sub3A_434 = vector.broadcast %get3A_12 : vector<1x2048xf32> to vector<8x2048xf32>
    %sub3A_435 = vector.broadcast %slice3A_430 : vector<8x1xf32> to vector<8x2048xf32>
    %sub3A_436 = arith.subf %sub3A_434, %sub3A_435 : vector<8x2048xf32>
    %mul3A_437 = arith.mulf %sub3A_433, %sub3A_433 : vector<8x2048xf32>
    %mul3A_438 = arith.mulf %sub3A_436, %sub3A_436 : vector<8x2048xf32>
    %add3A_439 = arith.addf %mul3A_437, %mul3A_438 : vector<8x2048xf32>
    %lt3A_440 = arith.cmpf olt, %add3A_439, %select_n3A_422 : vector<8x2048xf32>
    %select_n3A_441 = arith.select %lt3A_440, %add3A_439, %select_n3A_422 : vector<8x2048xi1>, vector<8x2048xf32>
    %add3A_442 = arith.constant 1.760000e+02 : f32
    %add3A_443 = vector.broadcast %add3A_442 : f32 to vector<8x1xf32>
    %add3A_444 = arith.addf %convert_element_type3A_13, %add3A_443 : vector<8x1xf32>
    %broadcast_in_dim3A_445 = vector.shape_cast %add3A_444 : vector<8x1xf32> to vector<8x1xf32>
    %broadcast_in_dim3A_446 = vector.broadcast %broadcast_in_dim3A_445 : vector<8x1xf32> to vector<8x2048xf32>
    %select_n3A_447 = arith.select %lt3A_440, %broadcast_in_dim3A_446, %select_n3A_428 : vector<8x2048xi1>, vector<8x2048xf32>
    %slice3A_448 = vector.extract_strided_slice %get3A_3 {offsets = [184, 0], sizes = [8, 1], strides = [1, 1]} : vector<512x1xf32> to vector<8x1xf32>
    %slice3A_449 = vector.extract_strided_slice %get3A_6 {offsets = [184, 0], sizes = [8, 1], strides = [1, 1]} : vector<512x1xf32> to vector<8x1xf32>
    %sub3A_450 = vector.broadcast %get3A_9 : vector<1x2048xf32> to vector<8x2048xf32>
    %sub3A_451 = vector.broadcast %slice3A_448 : vector<8x1xf32> to vector<8x2048xf32>
    %sub3A_452 = arith.subf %sub3A_450, %sub3A_451 : vector<8x2048xf32>
    %sub3A_453 = vector.broadcast %get3A_12 : vector<1x2048xf32> to vector<8x2048xf32>
    %sub3A_454 = vector.broadcast %slice3A_449 : vector<8x1xf32> to vector<8x2048xf32>
    %sub3A_455 = arith.subf %sub3A_453, %sub3A_454 : vector<8x2048xf32>
    %mul3A_456 = arith.mulf %sub3A_452, %sub3A_452 : vector<8x2048xf32>
    %mul3A_457 = arith.mulf %sub3A_455, %sub3A_455 : vector<8x2048xf32>
    %add3A_458 = arith.addf %mul3A_456, %mul3A_457 : vector<8x2048xf32>
    %lt3A_459 = arith.cmpf olt, %add3A_458, %select_n3A_441 : vector<8x2048xf32>
    %select_n3A_460 = arith.select %lt3A_459, %add3A_458, %select_n3A_441 : vector<8x2048xi1>, vector<8x2048xf32>
    %add3A_461 = arith.constant 1.840000e+02 : f32
    %add3A_462 = vector.broadcast %add3A_461 : f32 to vector<8x1xf32>
    %add3A_463 = arith.addf %convert_element_type3A_13, %add3A_462 : vector<8x1xf32>
    %broadcast_in_dim3A_464 = vector.shape_cast %add3A_463 : vector<8x1xf32> to vector<8x1xf32>
    %broadcast_in_dim3A_465 = vector.broadcast %broadcast_in_dim3A_464 : vector<8x1xf32> to vector<8x2048xf32>
    %select_n3A_466 = arith.select %lt3A_459, %broadcast_in_dim3A_465, %select_n3A_447 : vector<8x2048xi1>, vector<8x2048xf32>
    %slice3A_467 = vector.extract_strided_slice %get3A_3 {offsets = [192, 0], sizes = [8, 1], strides = [1, 1]} : vector<512x1xf32> to vector<8x1xf32>
    %slice3A_468 = vector.extract_strided_slice %get3A_6 {offsets = [192, 0], sizes = [8, 1], strides = [1, 1]} : vector<512x1xf32> to vector<8x1xf32>
    %sub3A_469 = vector.broadcast %get3A_9 : vector<1x2048xf32> to vector<8x2048xf32>
    %sub3A_470 = vector.broadcast %slice3A_467 : vector<8x1xf32> to vector<8x2048xf32>
    %sub3A_471 = arith.subf %sub3A_469, %sub3A_470 : vector<8x2048xf32>
    %sub3A_472 = vector.broadcast %get3A_12 : vector<1x2048xf32> to vector<8x2048xf32>
    %sub3A_473 = vector.broadcast %slice3A_468 : vector<8x1xf32> to vector<8x2048xf32>
    %sub3A_474 = arith.subf %sub3A_472, %sub3A_473 : vector<8x2048xf32>
    %mul3A_475 = arith.mulf %sub3A_471, %sub3A_471 : vector<8x2048xf32>
    %mul3A_476 = arith.mulf %sub3A_474, %sub3A_474 : vector<8x2048xf32>
    %add3A_477 = arith.addf %mul3A_475, %mul3A_476 : vector<8x2048xf32>
    %lt3A_478 = arith.cmpf olt, %add3A_477, %select_n3A_460 : vector<8x2048xf32>
    %select_n3A_479 = arith.select %lt3A_478, %add3A_477, %select_n3A_460 : vector<8x2048xi1>, vector<8x2048xf32>
    %add3A_480 = arith.constant 1.920000e+02 : f32
    %add3A_481 = vector.broadcast %add3A_480 : f32 to vector<8x1xf32>
    %add3A_482 = arith.addf %convert_element_type3A_13, %add3A_481 : vector<8x1xf32>
    %broadcast_in_dim3A_483 = vector.shape_cast %add3A_482 : vector<8x1xf32> to vector<8x1xf32>
    %broadcast_in_dim3A_484 = vector.broadcast %broadcast_in_dim3A_483 : vector<8x1xf32> to vector<8x2048xf32>
    %select_n3A_485 = arith.select %lt3A_478, %broadcast_in_dim3A_484, %select_n3A_466 : vector<8x2048xi1>, vector<8x2048xf32>
    %slice3A_486 = vector.extract_strided_slice %get3A_3 {offsets = [200, 0], sizes = [8, 1], strides = [1, 1]} : vector<512x1xf32> to vector<8x1xf32>
    %slice3A_487 = vector.extract_strided_slice %get3A_6 {offsets = [200, 0], sizes = [8, 1], strides = [1, 1]} : vector<512x1xf32> to vector<8x1xf32>
    %sub3A_488 = vector.broadcast %get3A_9 : vector<1x2048xf32> to vector<8x2048xf32>
    %sub3A_489 = vector.broadcast %slice3A_486 : vector<8x1xf32> to vector<8x2048xf32>
    %sub3A_490 = arith.subf %sub3A_488, %sub3A_489 : vector<8x2048xf32>
    %sub3A_491 = vector.broadcast %get3A_12 : vector<1x2048xf32> to vector<8x2048xf32>
    %sub3A_492 = vector.broadcast %slice3A_487 : vector<8x1xf32> to vector<8x2048xf32>
    %sub3A_493 = arith.subf %sub3A_491, %sub3A_492 : vector<8x2048xf32>
    %mul3A_494 = arith.mulf %sub3A_490, %sub3A_490 : vector<8x2048xf32>
    %mul3A_495 = arith.mulf %sub3A_493, %sub3A_493 : vector<8x2048xf32>
    %add3A_496 = arith.addf %mul3A_494, %mul3A_495 : vector<8x2048xf32>
    %lt3A_497 = arith.cmpf olt, %add3A_496, %select_n3A_479 : vector<8x2048xf32>
    %select_n3A_498 = arith.select %lt3A_497, %add3A_496, %select_n3A_479 : vector<8x2048xi1>, vector<8x2048xf32>
    %add3A_499 = arith.constant 2.000000e+02 : f32
    %add3A_500 = vector.broadcast %add3A_499 : f32 to vector<8x1xf32>
    %add3A_501 = arith.addf %convert_element_type3A_13, %add3A_500 : vector<8x1xf32>
    %broadcast_in_dim3A_502 = vector.shape_cast %add3A_501 : vector<8x1xf32> to vector<8x1xf32>
    %broadcast_in_dim3A_503 = vector.broadcast %broadcast_in_dim3A_502 : vector<8x1xf32> to vector<8x2048xf32>
    %select_n3A_504 = arith.select %lt3A_497, %broadcast_in_dim3A_503, %select_n3A_485 : vector<8x2048xi1>, vector<8x2048xf32>
    %slice3A_505 = vector.extract_strided_slice %get3A_3 {offsets = [208, 0], sizes = [8, 1], strides = [1, 1]} : vector<512x1xf32> to vector<8x1xf32>
    %slice3A_506 = vector.extract_strided_slice %get3A_6 {offsets = [208, 0], sizes = [8, 1], strides = [1, 1]} : vector<512x1xf32> to vector<8x1xf32>
    %sub3A_507 = vector.broadcast %get3A_9 : vector<1x2048xf32> to vector<8x2048xf32>
    %sub3A_508 = vector.broadcast %slice3A_505 : vector<8x1xf32> to vector<8x2048xf32>
    %sub3A_509 = arith.subf %sub3A_507, %sub3A_508 : vector<8x2048xf32>
    %sub3A_510 = vector.broadcast %get3A_12 : vector<1x2048xf32> to vector<8x2048xf32>
    %sub3A_511 = vector.broadcast %slice3A_506 : vector<8x1xf32> to vector<8x2048xf32>
    %sub3A_512 = arith.subf %sub3A_510, %sub3A_511 : vector<8x2048xf32>
    %mul3A_513 = arith.mulf %sub3A_509, %sub3A_509 : vector<8x2048xf32>
    %mul3A_514 = arith.mulf %sub3A_512, %sub3A_512 : vector<8x2048xf32>
    %add3A_515 = arith.addf %mul3A_513, %mul3A_514 : vector<8x2048xf32>
    %lt3A_516 = arith.cmpf olt, %add3A_515, %select_n3A_498 : vector<8x2048xf32>
    %select_n3A_517 = arith.select %lt3A_516, %add3A_515, %select_n3A_498 : vector<8x2048xi1>, vector<8x2048xf32>
    %add3A_518 = arith.constant 2.080000e+02 : f32
    %add3A_519 = vector.broadcast %add3A_518 : f32 to vector<8x1xf32>
    %add3A_520 = arith.addf %convert_element_type3A_13, %add3A_519 : vector<8x1xf32>
    %broadcast_in_dim3A_521 = vector.shape_cast %add3A_520 : vector<8x1xf32> to vector<8x1xf32>
    %broadcast_in_dim3A_522 = vector.broadcast %broadcast_in_dim3A_521 : vector<8x1xf32> to vector<8x2048xf32>
    %select_n3A_523 = arith.select %lt3A_516, %broadcast_in_dim3A_522, %select_n3A_504 : vector<8x2048xi1>, vector<8x2048xf32>
    %slice3A_524 = vector.extract_strided_slice %get3A_3 {offsets = [216, 0], sizes = [8, 1], strides = [1, 1]} : vector<512x1xf32> to vector<8x1xf32>
    %slice3A_525 = vector.extract_strided_slice %get3A_6 {offsets = [216, 0], sizes = [8, 1], strides = [1, 1]} : vector<512x1xf32> to vector<8x1xf32>
    %sub3A_526 = vector.broadcast %get3A_9 : vector<1x2048xf32> to vector<8x2048xf32>
    %sub3A_527 = vector.broadcast %slice3A_524 : vector<8x1xf32> to vector<8x2048xf32>
    %sub3A_528 = arith.subf %sub3A_526, %sub3A_527 : vector<8x2048xf32>
    %sub3A_529 = vector.broadcast %get3A_12 : vector<1x2048xf32> to vector<8x2048xf32>
    %sub3A_530 = vector.broadcast %slice3A_525 : vector<8x1xf32> to vector<8x2048xf32>
    %sub3A_531 = arith.subf %sub3A_529, %sub3A_530 : vector<8x2048xf32>
    %mul3A_532 = arith.mulf %sub3A_528, %sub3A_528 : vector<8x2048xf32>
    %mul3A_533 = arith.mulf %sub3A_531, %sub3A_531 : vector<8x2048xf32>
    %add3A_534 = arith.addf %mul3A_532, %mul3A_533 : vector<8x2048xf32>
    %lt3A_535 = arith.cmpf olt, %add3A_534, %select_n3A_517 : vector<8x2048xf32>
    %select_n3A_536 = arith.select %lt3A_535, %add3A_534, %select_n3A_517 : vector<8x2048xi1>, vector<8x2048xf32>
    %add3A_537 = arith.constant 2.160000e+02 : f32
    %add3A_538 = vector.broadcast %add3A_537 : f32 to vector<8x1xf32>
    %add3A_539 = arith.addf %convert_element_type3A_13, %add3A_538 : vector<8x1xf32>
    %broadcast_in_dim3A_540 = vector.shape_cast %add3A_539 : vector<8x1xf32> to vector<8x1xf32>
    %broadcast_in_dim3A_541 = vector.broadcast %broadcast_in_dim3A_540 : vector<8x1xf32> to vector<8x2048xf32>
    %select_n3A_542 = arith.select %lt3A_535, %broadcast_in_dim3A_541, %select_n3A_523 : vector<8x2048xi1>, vector<8x2048xf32>
    %slice3A_543 = vector.extract_strided_slice %get3A_3 {offsets = [224, 0], sizes = [8, 1], strides = [1, 1]} : vector<512x1xf32> to vector<8x1xf32>
    %slice3A_544 = vector.extract_strided_slice %get3A_6 {offsets = [224, 0], sizes = [8, 1], strides = [1, 1]} : vector<512x1xf32> to vector<8x1xf32>
    %sub3A_545 = vector.broadcast %get3A_9 : vector<1x2048xf32> to vector<8x2048xf32>
    %sub3A_546 = vector.broadcast %slice3A_543 : vector<8x1xf32> to vector<8x2048xf32>
    %sub3A_547 = arith.subf %sub3A_545, %sub3A_546 : vector<8x2048xf32>
    %sub3A_548 = vector.broadcast %get3A_12 : vector<1x2048xf32> to vector<8x2048xf32>
    %sub3A_549 = vector.broadcast %slice3A_544 : vector<8x1xf32> to vector<8x2048xf32>
    %sub3A_550 = arith.subf %sub3A_548, %sub3A_549 : vector<8x2048xf32>
    %mul3A_551 = arith.mulf %sub3A_547, %sub3A_547 : vector<8x2048xf32>
    %mul3A_552 = arith.mulf %sub3A_550, %sub3A_550 : vector<8x2048xf32>
    %add3A_553 = arith.addf %mul3A_551, %mul3A_552 : vector<8x2048xf32>
    %lt3A_554 = arith.cmpf olt, %add3A_553, %select_n3A_536 : vector<8x2048xf32>
    %select_n3A_555 = arith.select %lt3A_554, %add3A_553, %select_n3A_536 : vector<8x2048xi1>, vector<8x2048xf32>
    %add3A_556 = arith.constant 2.240000e+02 : f32
    %add3A_557 = vector.broadcast %add3A_556 : f32 to vector<8x1xf32>
    %add3A_558 = arith.addf %convert_element_type3A_13, %add3A_557 : vector<8x1xf32>
    %broadcast_in_dim3A_559 = vector.shape_cast %add3A_558 : vector<8x1xf32> to vector<8x1xf32>
    %broadcast_in_dim3A_560 = vector.broadcast %broadcast_in_dim3A_559 : vector<8x1xf32> to vector<8x2048xf32>
    %select_n3A_561 = arith.select %lt3A_554, %broadcast_in_dim3A_560, %select_n3A_542 : vector<8x2048xi1>, vector<8x2048xf32>
    %slice3A_562 = vector.extract_strided_slice %get3A_3 {offsets = [232, 0], sizes = [8, 1], strides = [1, 1]} : vector<512x1xf32> to vector<8x1xf32>
    %slice3A_563 = vector.extract_strided_slice %get3A_6 {offsets = [232, 0], sizes = [8, 1], strides = [1, 1]} : vector<512x1xf32> to vector<8x1xf32>
    %sub3A_564 = vector.broadcast %get3A_9 : vector<1x2048xf32> to vector<8x2048xf32>
    %sub3A_565 = vector.broadcast %slice3A_562 : vector<8x1xf32> to vector<8x2048xf32>
    %sub3A_566 = arith.subf %sub3A_564, %sub3A_565 : vector<8x2048xf32>
    %sub3A_567 = vector.broadcast %get3A_12 : vector<1x2048xf32> to vector<8x2048xf32>
    %sub3A_568 = vector.broadcast %slice3A_563 : vector<8x1xf32> to vector<8x2048xf32>
    %sub3A_569 = arith.subf %sub3A_567, %sub3A_568 : vector<8x2048xf32>
    %mul3A_570 = arith.mulf %sub3A_566, %sub3A_566 : vector<8x2048xf32>
    %mul3A_571 = arith.mulf %sub3A_569, %sub3A_569 : vector<8x2048xf32>
    %add3A_572 = arith.addf %mul3A_570, %mul3A_571 : vector<8x2048xf32>
    %lt3A_573 = arith.cmpf olt, %add3A_572, %select_n3A_555 : vector<8x2048xf32>
    %select_n3A_574 = arith.select %lt3A_573, %add3A_572, %select_n3A_555 : vector<8x2048xi1>, vector<8x2048xf32>
    %add3A_575 = arith.constant 2.320000e+02 : f32
    %add3A_576 = vector.broadcast %add3A_575 : f32 to vector<8x1xf32>
    %add3A_577 = arith.addf %convert_element_type3A_13, %add3A_576 : vector<8x1xf32>
    %broadcast_in_dim3A_578 = vector.shape_cast %add3A_577 : vector<8x1xf32> to vector<8x1xf32>
    %broadcast_in_dim3A_579 = vector.broadcast %broadcast_in_dim3A_578 : vector<8x1xf32> to vector<8x2048xf32>
    %select_n3A_580 = arith.select %lt3A_573, %broadcast_in_dim3A_579, %select_n3A_561 : vector<8x2048xi1>, vector<8x2048xf32>
    %slice3A_581 = vector.extract_strided_slice %get3A_3 {offsets = [240, 0], sizes = [8, 1], strides = [1, 1]} : vector<512x1xf32> to vector<8x1xf32>
    %slice3A_582 = vector.extract_strided_slice %get3A_6 {offsets = [240, 0], sizes = [8, 1], strides = [1, 1]} : vector<512x1xf32> to vector<8x1xf32>
    %sub3A_583 = vector.broadcast %get3A_9 : vector<1x2048xf32> to vector<8x2048xf32>
    %sub3A_584 = vector.broadcast %slice3A_581 : vector<8x1xf32> to vector<8x2048xf32>
    %sub3A_585 = arith.subf %sub3A_583, %sub3A_584 : vector<8x2048xf32>
    %sub3A_586 = vector.broadcast %get3A_12 : vector<1x2048xf32> to vector<8x2048xf32>
    %sub3A_587 = vector.broadcast %slice3A_582 : vector<8x1xf32> to vector<8x2048xf32>
    %sub3A_588 = arith.subf %sub3A_586, %sub3A_587 : vector<8x2048xf32>
    %mul3A_589 = arith.mulf %sub3A_585, %sub3A_585 : vector<8x2048xf32>
    %mul3A_590 = arith.mulf %sub3A_588, %sub3A_588 : vector<8x2048xf32>
    %add3A_591 = arith.addf %mul3A_589, %mul3A_590 : vector<8x2048xf32>
    %lt3A_592 = arith.cmpf olt, %add3A_591, %select_n3A_574 : vector<8x2048xf32>
    %select_n3A_593 = arith.select %lt3A_592, %add3A_591, %select_n3A_574 : vector<8x2048xi1>, vector<8x2048xf32>
    %add3A_594 = arith.constant 2.400000e+02 : f32
    %add3A_595 = vector.broadcast %add3A_594 : f32 to vector<8x1xf32>
    %add3A_596 = arith.addf %convert_element_type3A_13, %add3A_595 : vector<8x1xf32>
    %broadcast_in_dim3A_597 = vector.shape_cast %add3A_596 : vector<8x1xf32> to vector<8x1xf32>
    %broadcast_in_dim3A_598 = vector.broadcast %broadcast_in_dim3A_597 : vector<8x1xf32> to vector<8x2048xf32>
    %select_n3A_599 = arith.select %lt3A_592, %broadcast_in_dim3A_598, %select_n3A_580 : vector<8x2048xi1>, vector<8x2048xf32>
    %slice3A_600 = vector.extract_strided_slice %get3A_3 {offsets = [248, 0], sizes = [8, 1], strides = [1, 1]} : vector<512x1xf32> to vector<8x1xf32>
    %slice3A_601 = vector.extract_strided_slice %get3A_6 {offsets = [248, 0], sizes = [8, 1], strides = [1, 1]} : vector<512x1xf32> to vector<8x1xf32>
    %sub3A_602 = vector.broadcast %get3A_9 : vector<1x2048xf32> to vector<8x2048xf32>
    %sub3A_603 = vector.broadcast %slice3A_600 : vector<8x1xf32> to vector<8x2048xf32>
    %sub3A_604 = arith.subf %sub3A_602, %sub3A_603 : vector<8x2048xf32>
    %sub3A_605 = vector.broadcast %get3A_12 : vector<1x2048xf32> to vector<8x2048xf32>
    %sub3A_606 = vector.broadcast %slice3A_601 : vector<8x1xf32> to vector<8x2048xf32>
    %sub3A_607 = arith.subf %sub3A_605, %sub3A_606 : vector<8x2048xf32>
    %mul3A_608 = arith.mulf %sub3A_604, %sub3A_604 : vector<8x2048xf32>
    %mul3A_609 = arith.mulf %sub3A_607, %sub3A_607 : vector<8x2048xf32>
    %add3A_610 = arith.addf %mul3A_608, %mul3A_609 : vector<8x2048xf32>
    %lt3A_611 = arith.cmpf olt, %add3A_610, %select_n3A_593 : vector<8x2048xf32>
    %select_n3A_612 = arith.select %lt3A_611, %add3A_610, %select_n3A_593 : vector<8x2048xi1>, vector<8x2048xf32>
    %add3A_613 = arith.constant 2.480000e+02 : f32
    %add3A_614 = vector.broadcast %add3A_613 : f32 to vector<8x1xf32>
    %add3A_615 = arith.addf %convert_element_type3A_13, %add3A_614 : vector<8x1xf32>
    %broadcast_in_dim3A_616 = vector.shape_cast %add3A_615 : vector<8x1xf32> to vector<8x1xf32>
    %broadcast_in_dim3A_617 = vector.broadcast %broadcast_in_dim3A_616 : vector<8x1xf32> to vector<8x2048xf32>
    %select_n3A_618 = arith.select %lt3A_611, %broadcast_in_dim3A_617, %select_n3A_599 : vector<8x2048xi1>, vector<8x2048xf32>
    %slice3A_619 = vector.extract_strided_slice %get3A_3 {offsets = [256, 0], sizes = [8, 1], strides = [1, 1]} : vector<512x1xf32> to vector<8x1xf32>
    %slice3A_620 = vector.extract_strided_slice %get3A_6 {offsets = [256, 0], sizes = [8, 1], strides = [1, 1]} : vector<512x1xf32> to vector<8x1xf32>
    %sub3A_621 = vector.broadcast %get3A_9 : vector<1x2048xf32> to vector<8x2048xf32>
    %sub3A_622 = vector.broadcast %slice3A_619 : vector<8x1xf32> to vector<8x2048xf32>
    %sub3A_623 = arith.subf %sub3A_621, %sub3A_622 : vector<8x2048xf32>
    %sub3A_624 = vector.broadcast %get3A_12 : vector<1x2048xf32> to vector<8x2048xf32>
    %sub3A_625 = vector.broadcast %slice3A_620 : vector<8x1xf32> to vector<8x2048xf32>
    %sub3A_626 = arith.subf %sub3A_624, %sub3A_625 : vector<8x2048xf32>
    %mul3A_627 = arith.mulf %sub3A_623, %sub3A_623 : vector<8x2048xf32>
    %mul3A_628 = arith.mulf %sub3A_626, %sub3A_626 : vector<8x2048xf32>
    %add3A_629 = arith.addf %mul3A_627, %mul3A_628 : vector<8x2048xf32>
    %lt3A_630 = arith.cmpf olt, %add3A_629, %select_n3A_612 : vector<8x2048xf32>
    %select_n3A_631 = arith.select %lt3A_630, %add3A_629, %select_n3A_612 : vector<8x2048xi1>, vector<8x2048xf32>
    %add3A_632 = arith.constant 2.560000e+02 : f32
    %add3A_633 = vector.broadcast %add3A_632 : f32 to vector<8x1xf32>
    %add3A_634 = arith.addf %convert_element_type3A_13, %add3A_633 : vector<8x1xf32>
    %broadcast_in_dim3A_635 = vector.shape_cast %add3A_634 : vector<8x1xf32> to vector<8x1xf32>
    %broadcast_in_dim3A_636 = vector.broadcast %broadcast_in_dim3A_635 : vector<8x1xf32> to vector<8x2048xf32>
    %select_n3A_637 = arith.select %lt3A_630, %broadcast_in_dim3A_636, %select_n3A_618 : vector<8x2048xi1>, vector<8x2048xf32>
    %slice3A_638 = vector.extract_strided_slice %get3A_3 {offsets = [264, 0], sizes = [8, 1], strides = [1, 1]} : vector<512x1xf32> to vector<8x1xf32>
    %slice3A_639 = vector.extract_strided_slice %get3A_6 {offsets = [264, 0], sizes = [8, 1], strides = [1, 1]} : vector<512x1xf32> to vector<8x1xf32>
    %sub3A_640 = vector.broadcast %get3A_9 : vector<1x2048xf32> to vector<8x2048xf32>
    %sub3A_641 = vector.broadcast %slice3A_638 : vector<8x1xf32> to vector<8x2048xf32>
    %sub3A_642 = arith.subf %sub3A_640, %sub3A_641 : vector<8x2048xf32>
    %sub3A_643 = vector.broadcast %get3A_12 : vector<1x2048xf32> to vector<8x2048xf32>
    %sub3A_644 = vector.broadcast %slice3A_639 : vector<8x1xf32> to vector<8x2048xf32>
    %sub3A_645 = arith.subf %sub3A_643, %sub3A_644 : vector<8x2048xf32>
    %mul3A_646 = arith.mulf %sub3A_642, %sub3A_642 : vector<8x2048xf32>
    %mul3A_647 = arith.mulf %sub3A_645, %sub3A_645 : vector<8x2048xf32>
    %add3A_648 = arith.addf %mul3A_646, %mul3A_647 : vector<8x2048xf32>
    %lt3A_649 = arith.cmpf olt, %add3A_648, %select_n3A_631 : vector<8x2048xf32>
    %select_n3A_650 = arith.select %lt3A_649, %add3A_648, %select_n3A_631 : vector<8x2048xi1>, vector<8x2048xf32>
    %add3A_651 = arith.constant 2.640000e+02 : f32
    %add3A_652 = vector.broadcast %add3A_651 : f32 to vector<8x1xf32>
    %add3A_653 = arith.addf %convert_element_type3A_13, %add3A_652 : vector<8x1xf32>
    %broadcast_in_dim3A_654 = vector.shape_cast %add3A_653 : vector<8x1xf32> to vector<8x1xf32>
    %broadcast_in_dim3A_655 = vector.broadcast %broadcast_in_dim3A_654 : vector<8x1xf32> to vector<8x2048xf32>
    %select_n3A_656 = arith.select %lt3A_649, %broadcast_in_dim3A_655, %select_n3A_637 : vector<8x2048xi1>, vector<8x2048xf32>
    %slice3A_657 = vector.extract_strided_slice %get3A_3 {offsets = [272, 0], sizes = [8, 1], strides = [1, 1]} : vector<512x1xf32> to vector<8x1xf32>
    %slice3A_658 = vector.extract_strided_slice %get3A_6 {offsets = [272, 0], sizes = [8, 1], strides = [1, 1]} : vector<512x1xf32> to vector<8x1xf32>
    %sub3A_659 = vector.broadcast %get3A_9 : vector<1x2048xf32> to vector<8x2048xf32>
    %sub3A_660 = vector.broadcast %slice3A_657 : vector<8x1xf32> to vector<8x2048xf32>
    %sub3A_661 = arith.subf %sub3A_659, %sub3A_660 : vector<8x2048xf32>
    %sub3A_662 = vector.broadcast %get3A_12 : vector<1x2048xf32> to vector<8x2048xf32>
    %sub3A_663 = vector.broadcast %slice3A_658 : vector<8x1xf32> to vector<8x2048xf32>
    %sub3A_664 = arith.subf %sub3A_662, %sub3A_663 : vector<8x2048xf32>
    %mul3A_665 = arith.mulf %sub3A_661, %sub3A_661 : vector<8x2048xf32>
    %mul3A_666 = arith.mulf %sub3A_664, %sub3A_664 : vector<8x2048xf32>
    %add3A_667 = arith.addf %mul3A_665, %mul3A_666 : vector<8x2048xf32>
    %lt3A_668 = arith.cmpf olt, %add3A_667, %select_n3A_650 : vector<8x2048xf32>
    %select_n3A_669 = arith.select %lt3A_668, %add3A_667, %select_n3A_650 : vector<8x2048xi1>, vector<8x2048xf32>
    %add3A_670 = arith.constant 2.720000e+02 : f32
    %add3A_671 = vector.broadcast %add3A_670 : f32 to vector<8x1xf32>
    %add3A_672 = arith.addf %convert_element_type3A_13, %add3A_671 : vector<8x1xf32>
    %broadcast_in_dim3A_673 = vector.shape_cast %add3A_672 : vector<8x1xf32> to vector<8x1xf32>
    %broadcast_in_dim3A_674 = vector.broadcast %broadcast_in_dim3A_673 : vector<8x1xf32> to vector<8x2048xf32>
    %select_n3A_675 = arith.select %lt3A_668, %broadcast_in_dim3A_674, %select_n3A_656 : vector<8x2048xi1>, vector<8x2048xf32>
    %slice3A_676 = vector.extract_strided_slice %get3A_3 {offsets = [280, 0], sizes = [8, 1], strides = [1, 1]} : vector<512x1xf32> to vector<8x1xf32>
    %slice3A_677 = vector.extract_strided_slice %get3A_6 {offsets = [280, 0], sizes = [8, 1], strides = [1, 1]} : vector<512x1xf32> to vector<8x1xf32>
    %sub3A_678 = vector.broadcast %get3A_9 : vector<1x2048xf32> to vector<8x2048xf32>
    %sub3A_679 = vector.broadcast %slice3A_676 : vector<8x1xf32> to vector<8x2048xf32>
    %sub3A_680 = arith.subf %sub3A_678, %sub3A_679 : vector<8x2048xf32>
    %sub3A_681 = vector.broadcast %get3A_12 : vector<1x2048xf32> to vector<8x2048xf32>
    %sub3A_682 = vector.broadcast %slice3A_677 : vector<8x1xf32> to vector<8x2048xf32>
    %sub3A_683 = arith.subf %sub3A_681, %sub3A_682 : vector<8x2048xf32>
    %mul3A_684 = arith.mulf %sub3A_680, %sub3A_680 : vector<8x2048xf32>
    %mul3A_685 = arith.mulf %sub3A_683, %sub3A_683 : vector<8x2048xf32>
    %add3A_686 = arith.addf %mul3A_684, %mul3A_685 : vector<8x2048xf32>
    %lt3A_687 = arith.cmpf olt, %add3A_686, %select_n3A_669 : vector<8x2048xf32>
    %select_n3A_688 = arith.select %lt3A_687, %add3A_686, %select_n3A_669 : vector<8x2048xi1>, vector<8x2048xf32>
    %add3A_689 = arith.constant 2.800000e+02 : f32
    %add3A_690 = vector.broadcast %add3A_689 : f32 to vector<8x1xf32>
    %add3A_691 = arith.addf %convert_element_type3A_13, %add3A_690 : vector<8x1xf32>
    %broadcast_in_dim3A_692 = vector.shape_cast %add3A_691 : vector<8x1xf32> to vector<8x1xf32>
    %broadcast_in_dim3A_693 = vector.broadcast %broadcast_in_dim3A_692 : vector<8x1xf32> to vector<8x2048xf32>
    %select_n3A_694 = arith.select %lt3A_687, %broadcast_in_dim3A_693, %select_n3A_675 : vector<8x2048xi1>, vector<8x2048xf32>
    %slice3A_695 = vector.extract_strided_slice %get3A_3 {offsets = [288, 0], sizes = [8, 1], strides = [1, 1]} : vector<512x1xf32> to vector<8x1xf32>
    %slice3A_696 = vector.extract_strided_slice %get3A_6 {offsets = [288, 0], sizes = [8, 1], strides = [1, 1]} : vector<512x1xf32> to vector<8x1xf32>
    %sub3A_697 = vector.broadcast %get3A_9 : vector<1x2048xf32> to vector<8x2048xf32>
    %sub3A_698 = vector.broadcast %slice3A_695 : vector<8x1xf32> to vector<8x2048xf32>
    %sub3A_699 = arith.subf %sub3A_697, %sub3A_698 : vector<8x2048xf32>
    %sub3A_700 = vector.broadcast %get3A_12 : vector<1x2048xf32> to vector<8x2048xf32>
    %sub3A_701 = vector.broadcast %slice3A_696 : vector<8x1xf32> to vector<8x2048xf32>
    %sub3A_702 = arith.subf %sub3A_700, %sub3A_701 : vector<8x2048xf32>
    %mul3A_703 = arith.mulf %sub3A_699, %sub3A_699 : vector<8x2048xf32>
    %mul3A_704 = arith.mulf %sub3A_702, %sub3A_702 : vector<8x2048xf32>
    %add3A_705 = arith.addf %mul3A_703, %mul3A_704 : vector<8x2048xf32>
    %lt3A_706 = arith.cmpf olt, %add3A_705, %select_n3A_688 : vector<8x2048xf32>
    %select_n3A_707 = arith.select %lt3A_706, %add3A_705, %select_n3A_688 : vector<8x2048xi1>, vector<8x2048xf32>
    %add3A_708 = arith.constant 2.880000e+02 : f32
    %add3A_709 = vector.broadcast %add3A_708 : f32 to vector<8x1xf32>
    %add3A_710 = arith.addf %convert_element_type3A_13, %add3A_709 : vector<8x1xf32>
    %broadcast_in_dim3A_711 = vector.shape_cast %add3A_710 : vector<8x1xf32> to vector<8x1xf32>
    %broadcast_in_dim3A_712 = vector.broadcast %broadcast_in_dim3A_711 : vector<8x1xf32> to vector<8x2048xf32>
    %select_n3A_713 = arith.select %lt3A_706, %broadcast_in_dim3A_712, %select_n3A_694 : vector<8x2048xi1>, vector<8x2048xf32>
    %slice3A_714 = vector.extract_strided_slice %get3A_3 {offsets = [296, 0], sizes = [8, 1], strides = [1, 1]} : vector<512x1xf32> to vector<8x1xf32>
    %slice3A_715 = vector.extract_strided_slice %get3A_6 {offsets = [296, 0], sizes = [8, 1], strides = [1, 1]} : vector<512x1xf32> to vector<8x1xf32>
    %sub3A_716 = vector.broadcast %get3A_9 : vector<1x2048xf32> to vector<8x2048xf32>
    %sub3A_717 = vector.broadcast %slice3A_714 : vector<8x1xf32> to vector<8x2048xf32>
    %sub3A_718 = arith.subf %sub3A_716, %sub3A_717 : vector<8x2048xf32>
    %sub3A_719 = vector.broadcast %get3A_12 : vector<1x2048xf32> to vector<8x2048xf32>
    %sub3A_720 = vector.broadcast %slice3A_715 : vector<8x1xf32> to vector<8x2048xf32>
    %sub3A_721 = arith.subf %sub3A_719, %sub3A_720 : vector<8x2048xf32>
    %mul3A_722 = arith.mulf %sub3A_718, %sub3A_718 : vector<8x2048xf32>
    %mul3A_723 = arith.mulf %sub3A_721, %sub3A_721 : vector<8x2048xf32>
    %add3A_724 = arith.addf %mul3A_722, %mul3A_723 : vector<8x2048xf32>
    %lt3A_725 = arith.cmpf olt, %add3A_724, %select_n3A_707 : vector<8x2048xf32>
    %select_n3A_726 = arith.select %lt3A_725, %add3A_724, %select_n3A_707 : vector<8x2048xi1>, vector<8x2048xf32>
    %add3A_727 = arith.constant 2.960000e+02 : f32
    %add3A_728 = vector.broadcast %add3A_727 : f32 to vector<8x1xf32>
    %add3A_729 = arith.addf %convert_element_type3A_13, %add3A_728 : vector<8x1xf32>
    %broadcast_in_dim3A_730 = vector.shape_cast %add3A_729 : vector<8x1xf32> to vector<8x1xf32>
    %broadcast_in_dim3A_731 = vector.broadcast %broadcast_in_dim3A_730 : vector<8x1xf32> to vector<8x2048xf32>
    %select_n3A_732 = arith.select %lt3A_725, %broadcast_in_dim3A_731, %select_n3A_713 : vector<8x2048xi1>, vector<8x2048xf32>
    %slice3A_733 = vector.extract_strided_slice %get3A_3 {offsets = [304, 0], sizes = [8, 1], strides = [1, 1]} : vector<512x1xf32> to vector<8x1xf32>
    %slice3A_734 = vector.extract_strided_slice %get3A_6 {offsets = [304, 0], sizes = [8, 1], strides = [1, 1]} : vector<512x1xf32> to vector<8x1xf32>
    %sub3A_735 = vector.broadcast %get3A_9 : vector<1x2048xf32> to vector<8x2048xf32>
    %sub3A_736 = vector.broadcast %slice3A_733 : vector<8x1xf32> to vector<8x2048xf32>
    %sub3A_737 = arith.subf %sub3A_735, %sub3A_736 : vector<8x2048xf32>
    %sub3A_738 = vector.broadcast %get3A_12 : vector<1x2048xf32> to vector<8x2048xf32>
    %sub3A_739 = vector.broadcast %slice3A_734 : vector<8x1xf32> to vector<8x2048xf32>
    %sub3A_740 = arith.subf %sub3A_738, %sub3A_739 : vector<8x2048xf32>
    %mul3A_741 = arith.mulf %sub3A_737, %sub3A_737 : vector<8x2048xf32>
    %mul3A_742 = arith.mulf %sub3A_740, %sub3A_740 : vector<8x2048xf32>
    %add3A_743 = arith.addf %mul3A_741, %mul3A_742 : vector<8x2048xf32>
    %lt3A_744 = arith.cmpf olt, %add3A_743, %select_n3A_726 : vector<8x2048xf32>
    %select_n3A_745 = arith.select %lt3A_744, %add3A_743, %select_n3A_726 : vector<8x2048xi1>, vector<8x2048xf32>
    %add3A_746 = arith.constant 3.040000e+02 : f32
    %add3A_747 = vector.broadcast %add3A_746 : f32 to vector<8x1xf32>
    %add3A_748 = arith.addf %convert_element_type3A_13, %add3A_747 : vector<8x1xf32>
    %broadcast_in_dim3A_749 = vector.shape_cast %add3A_748 : vector<8x1xf32> to vector<8x1xf32>
    %broadcast_in_dim3A_750 = vector.broadcast %broadcast_in_dim3A_749 : vector<8x1xf32> to vector<8x2048xf32>
    %select_n3A_751 = arith.select %lt3A_744, %broadcast_in_dim3A_750, %select_n3A_732 : vector<8x2048xi1>, vector<8x2048xf32>
    %slice3A_752 = vector.extract_strided_slice %get3A_3 {offsets = [312, 0], sizes = [8, 1], strides = [1, 1]} : vector<512x1xf32> to vector<8x1xf32>
    %slice3A_753 = vector.extract_strided_slice %get3A_6 {offsets = [312, 0], sizes = [8, 1], strides = [1, 1]} : vector<512x1xf32> to vector<8x1xf32>
    %sub3A_754 = vector.broadcast %get3A_9 : vector<1x2048xf32> to vector<8x2048xf32>
    %sub3A_755 = vector.broadcast %slice3A_752 : vector<8x1xf32> to vector<8x2048xf32>
    %sub3A_756 = arith.subf %sub3A_754, %sub3A_755 : vector<8x2048xf32>
    %sub3A_757 = vector.broadcast %get3A_12 : vector<1x2048xf32> to vector<8x2048xf32>
    %sub3A_758 = vector.broadcast %slice3A_753 : vector<8x1xf32> to vector<8x2048xf32>
    %sub3A_759 = arith.subf %sub3A_757, %sub3A_758 : vector<8x2048xf32>
    %mul3A_760 = arith.mulf %sub3A_756, %sub3A_756 : vector<8x2048xf32>
    %mul3A_761 = arith.mulf %sub3A_759, %sub3A_759 : vector<8x2048xf32>
    %add3A_762 = arith.addf %mul3A_760, %mul3A_761 : vector<8x2048xf32>
    %lt3A_763 = arith.cmpf olt, %add3A_762, %select_n3A_745 : vector<8x2048xf32>
    %select_n3A_764 = arith.select %lt3A_763, %add3A_762, %select_n3A_745 : vector<8x2048xi1>, vector<8x2048xf32>
    %add3A_765 = arith.constant 3.120000e+02 : f32
    %add3A_766 = vector.broadcast %add3A_765 : f32 to vector<8x1xf32>
    %add3A_767 = arith.addf %convert_element_type3A_13, %add3A_766 : vector<8x1xf32>
    %broadcast_in_dim3A_768 = vector.shape_cast %add3A_767 : vector<8x1xf32> to vector<8x1xf32>
    %broadcast_in_dim3A_769 = vector.broadcast %broadcast_in_dim3A_768 : vector<8x1xf32> to vector<8x2048xf32>
    %select_n3A_770 = arith.select %lt3A_763, %broadcast_in_dim3A_769, %select_n3A_751 : vector<8x2048xi1>, vector<8x2048xf32>
    %slice3A_771 = vector.extract_strided_slice %get3A_3 {offsets = [320, 0], sizes = [8, 1], strides = [1, 1]} : vector<512x1xf32> to vector<8x1xf32>
    %slice3A_772 = vector.extract_strided_slice %get3A_6 {offsets = [320, 0], sizes = [8, 1], strides = [1, 1]} : vector<512x1xf32> to vector<8x1xf32>
    %sub3A_773 = vector.broadcast %get3A_9 : vector<1x2048xf32> to vector<8x2048xf32>
    %sub3A_774 = vector.broadcast %slice3A_771 : vector<8x1xf32> to vector<8x2048xf32>
    %sub3A_775 = arith.subf %sub3A_773, %sub3A_774 : vector<8x2048xf32>
    %sub3A_776 = vector.broadcast %get3A_12 : vector<1x2048xf32> to vector<8x2048xf32>
    %sub3A_777 = vector.broadcast %slice3A_772 : vector<8x1xf32> to vector<8x2048xf32>
    %sub3A_778 = arith.subf %sub3A_776, %sub3A_777 : vector<8x2048xf32>
    %mul3A_779 = arith.mulf %sub3A_775, %sub3A_775 : vector<8x2048xf32>
    %mul3A_780 = arith.mulf %sub3A_778, %sub3A_778 : vector<8x2048xf32>
    %add3A_781 = arith.addf %mul3A_779, %mul3A_780 : vector<8x2048xf32>
    %lt3A_782 = arith.cmpf olt, %add3A_781, %select_n3A_764 : vector<8x2048xf32>
    %select_n3A_783 = arith.select %lt3A_782, %add3A_781, %select_n3A_764 : vector<8x2048xi1>, vector<8x2048xf32>
    %add3A_784 = arith.constant 3.200000e+02 : f32
    %add3A_785 = vector.broadcast %add3A_784 : f32 to vector<8x1xf32>
    %add3A_786 = arith.addf %convert_element_type3A_13, %add3A_785 : vector<8x1xf32>
    %broadcast_in_dim3A_787 = vector.shape_cast %add3A_786 : vector<8x1xf32> to vector<8x1xf32>
    %broadcast_in_dim3A_788 = vector.broadcast %broadcast_in_dim3A_787 : vector<8x1xf32> to vector<8x2048xf32>
    %select_n3A_789 = arith.select %lt3A_782, %broadcast_in_dim3A_788, %select_n3A_770 : vector<8x2048xi1>, vector<8x2048xf32>
    %slice3A_790 = vector.extract_strided_slice %get3A_3 {offsets = [328, 0], sizes = [8, 1], strides = [1, 1]} : vector<512x1xf32> to vector<8x1xf32>
    %slice3A_791 = vector.extract_strided_slice %get3A_6 {offsets = [328, 0], sizes = [8, 1], strides = [1, 1]} : vector<512x1xf32> to vector<8x1xf32>
    %sub3A_792 = vector.broadcast %get3A_9 : vector<1x2048xf32> to vector<8x2048xf32>
    %sub3A_793 = vector.broadcast %slice3A_790 : vector<8x1xf32> to vector<8x2048xf32>
    %sub3A_794 = arith.subf %sub3A_792, %sub3A_793 : vector<8x2048xf32>
    %sub3A_795 = vector.broadcast %get3A_12 : vector<1x2048xf32> to vector<8x2048xf32>
    %sub3A_796 = vector.broadcast %slice3A_791 : vector<8x1xf32> to vector<8x2048xf32>
    %sub3A_797 = arith.subf %sub3A_795, %sub3A_796 : vector<8x2048xf32>
    %mul3A_798 = arith.mulf %sub3A_794, %sub3A_794 : vector<8x2048xf32>
    %mul3A_799 = arith.mulf %sub3A_797, %sub3A_797 : vector<8x2048xf32>
    %add3A_800 = arith.addf %mul3A_798, %mul3A_799 : vector<8x2048xf32>
    %lt3A_801 = arith.cmpf olt, %add3A_800, %select_n3A_783 : vector<8x2048xf32>
    %select_n3A_802 = arith.select %lt3A_801, %add3A_800, %select_n3A_783 : vector<8x2048xi1>, vector<8x2048xf32>
    %add3A_803 = arith.constant 3.280000e+02 : f32
    %add3A_804 = vector.broadcast %add3A_803 : f32 to vector<8x1xf32>
    %add3A_805 = arith.addf %convert_element_type3A_13, %add3A_804 : vector<8x1xf32>
    %broadcast_in_dim3A_806 = vector.shape_cast %add3A_805 : vector<8x1xf32> to vector<8x1xf32>
    %broadcast_in_dim3A_807 = vector.broadcast %broadcast_in_dim3A_806 : vector<8x1xf32> to vector<8x2048xf32>
    %select_n3A_808 = arith.select %lt3A_801, %broadcast_in_dim3A_807, %select_n3A_789 : vector<8x2048xi1>, vector<8x2048xf32>
    %slice3A_809 = vector.extract_strided_slice %get3A_3 {offsets = [336, 0], sizes = [8, 1], strides = [1, 1]} : vector<512x1xf32> to vector<8x1xf32>
    %slice3A_810 = vector.extract_strided_slice %get3A_6 {offsets = [336, 0], sizes = [8, 1], strides = [1, 1]} : vector<512x1xf32> to vector<8x1xf32>
    %sub3A_811 = vector.broadcast %get3A_9 : vector<1x2048xf32> to vector<8x2048xf32>
    %sub3A_812 = vector.broadcast %slice3A_809 : vector<8x1xf32> to vector<8x2048xf32>
    %sub3A_813 = arith.subf %sub3A_811, %sub3A_812 : vector<8x2048xf32>
    %sub3A_814 = vector.broadcast %get3A_12 : vector<1x2048xf32> to vector<8x2048xf32>
    %sub3A_815 = vector.broadcast %slice3A_810 : vector<8x1xf32> to vector<8x2048xf32>
    %sub3A_816 = arith.subf %sub3A_814, %sub3A_815 : vector<8x2048xf32>
    %mul3A_817 = arith.mulf %sub3A_813, %sub3A_813 : vector<8x2048xf32>
    %mul3A_818 = arith.mulf %sub3A_816, %sub3A_816 : vector<8x2048xf32>
    %add3A_819 = arith.addf %mul3A_817, %mul3A_818 : vector<8x2048xf32>
    %lt3A_820 = arith.cmpf olt, %add3A_819, %select_n3A_802 : vector<8x2048xf32>
    %select_n3A_821 = arith.select %lt3A_820, %add3A_819, %select_n3A_802 : vector<8x2048xi1>, vector<8x2048xf32>
    %add3A_822 = arith.constant 3.360000e+02 : f32
    %add3A_823 = vector.broadcast %add3A_822 : f32 to vector<8x1xf32>
    %add3A_824 = arith.addf %convert_element_type3A_13, %add3A_823 : vector<8x1xf32>
    %broadcast_in_dim3A_825 = vector.shape_cast %add3A_824 : vector<8x1xf32> to vector<8x1xf32>
    %broadcast_in_dim3A_826 = vector.broadcast %broadcast_in_dim3A_825 : vector<8x1xf32> to vector<8x2048xf32>
    %select_n3A_827 = arith.select %lt3A_820, %broadcast_in_dim3A_826, %select_n3A_808 : vector<8x2048xi1>, vector<8x2048xf32>
    %slice3A_828 = vector.extract_strided_slice %get3A_3 {offsets = [344, 0], sizes = [8, 1], strides = [1, 1]} : vector<512x1xf32> to vector<8x1xf32>
    %slice3A_829 = vector.extract_strided_slice %get3A_6 {offsets = [344, 0], sizes = [8, 1], strides = [1, 1]} : vector<512x1xf32> to vector<8x1xf32>
    %sub3A_830 = vector.broadcast %get3A_9 : vector<1x2048xf32> to vector<8x2048xf32>
    %sub3A_831 = vector.broadcast %slice3A_828 : vector<8x1xf32> to vector<8x2048xf32>
    %sub3A_832 = arith.subf %sub3A_830, %sub3A_831 : vector<8x2048xf32>
    %sub3A_833 = vector.broadcast %get3A_12 : vector<1x2048xf32> to vector<8x2048xf32>
    %sub3A_834 = vector.broadcast %slice3A_829 : vector<8x1xf32> to vector<8x2048xf32>
    %sub3A_835 = arith.subf %sub3A_833, %sub3A_834 : vector<8x2048xf32>
    %mul3A_836 = arith.mulf %sub3A_832, %sub3A_832 : vector<8x2048xf32>
    %mul3A_837 = arith.mulf %sub3A_835, %sub3A_835 : vector<8x2048xf32>
    %add3A_838 = arith.addf %mul3A_836, %mul3A_837 : vector<8x2048xf32>
    %lt3A_839 = arith.cmpf olt, %add3A_838, %select_n3A_821 : vector<8x2048xf32>
    %select_n3A_840 = arith.select %lt3A_839, %add3A_838, %select_n3A_821 : vector<8x2048xi1>, vector<8x2048xf32>
    %add3A_841 = arith.constant 3.440000e+02 : f32
    %add3A_842 = vector.broadcast %add3A_841 : f32 to vector<8x1xf32>
    %add3A_843 = arith.addf %convert_element_type3A_13, %add3A_842 : vector<8x1xf32>
    %broadcast_in_dim3A_844 = vector.shape_cast %add3A_843 : vector<8x1xf32> to vector<8x1xf32>
    %broadcast_in_dim3A_845 = vector.broadcast %broadcast_in_dim3A_844 : vector<8x1xf32> to vector<8x2048xf32>
    %select_n3A_846 = arith.select %lt3A_839, %broadcast_in_dim3A_845, %select_n3A_827 : vector<8x2048xi1>, vector<8x2048xf32>
    %slice3A_847 = vector.extract_strided_slice %get3A_3 {offsets = [352, 0], sizes = [8, 1], strides = [1, 1]} : vector<512x1xf32> to vector<8x1xf32>
    %slice3A_848 = vector.extract_strided_slice %get3A_6 {offsets = [352, 0], sizes = [8, 1], strides = [1, 1]} : vector<512x1xf32> to vector<8x1xf32>
    %sub3A_849 = vector.broadcast %get3A_9 : vector<1x2048xf32> to vector<8x2048xf32>
    %sub3A_850 = vector.broadcast %slice3A_847 : vector<8x1xf32> to vector<8x2048xf32>
    %sub3A_851 = arith.subf %sub3A_849, %sub3A_850 : vector<8x2048xf32>
    %sub3A_852 = vector.broadcast %get3A_12 : vector<1x2048xf32> to vector<8x2048xf32>
    %sub3A_853 = vector.broadcast %slice3A_848 : vector<8x1xf32> to vector<8x2048xf32>
    %sub3A_854 = arith.subf %sub3A_852, %sub3A_853 : vector<8x2048xf32>
    %mul3A_855 = arith.mulf %sub3A_851, %sub3A_851 : vector<8x2048xf32>
    %mul3A_856 = arith.mulf %sub3A_854, %sub3A_854 : vector<8x2048xf32>
    %add3A_857 = arith.addf %mul3A_855, %mul3A_856 : vector<8x2048xf32>
    %lt3A_858 = arith.cmpf olt, %add3A_857, %select_n3A_840 : vector<8x2048xf32>
    %select_n3A_859 = arith.select %lt3A_858, %add3A_857, %select_n3A_840 : vector<8x2048xi1>, vector<8x2048xf32>
    %add3A_860 = arith.constant 3.520000e+02 : f32
    %add3A_861 = vector.broadcast %add3A_860 : f32 to vector<8x1xf32>
    %add3A_862 = arith.addf %convert_element_type3A_13, %add3A_861 : vector<8x1xf32>
    %broadcast_in_dim3A_863 = vector.shape_cast %add3A_862 : vector<8x1xf32> to vector<8x1xf32>
    %broadcast_in_dim3A_864 = vector.broadcast %broadcast_in_dim3A_863 : vector<8x1xf32> to vector<8x2048xf32>
    %select_n3A_865 = arith.select %lt3A_858, %broadcast_in_dim3A_864, %select_n3A_846 : vector<8x2048xi1>, vector<8x2048xf32>
    %slice3A_866 = vector.extract_strided_slice %get3A_3 {offsets = [360, 0], sizes = [8, 1], strides = [1, 1]} : vector<512x1xf32> to vector<8x1xf32>
    %slice3A_867 = vector.extract_strided_slice %get3A_6 {offsets = [360, 0], sizes = [8, 1], strides = [1, 1]} : vector<512x1xf32> to vector<8x1xf32>
    %sub3A_868 = vector.broadcast %get3A_9 : vector<1x2048xf32> to vector<8x2048xf32>
    %sub3A_869 = vector.broadcast %slice3A_866 : vector<8x1xf32> to vector<8x2048xf32>
    %sub3A_870 = arith.subf %sub3A_868, %sub3A_869 : vector<8x2048xf32>
    %sub3A_871 = vector.broadcast %get3A_12 : vector<1x2048xf32> to vector<8x2048xf32>
    %sub3A_872 = vector.broadcast %slice3A_867 : vector<8x1xf32> to vector<8x2048xf32>
    %sub3A_873 = arith.subf %sub3A_871, %sub3A_872 : vector<8x2048xf32>
    %mul3A_874 = arith.mulf %sub3A_870, %sub3A_870 : vector<8x2048xf32>
    %mul3A_875 = arith.mulf %sub3A_873, %sub3A_873 : vector<8x2048xf32>
    %add3A_876 = arith.addf %mul3A_874, %mul3A_875 : vector<8x2048xf32>
    %lt3A_877 = arith.cmpf olt, %add3A_876, %select_n3A_859 : vector<8x2048xf32>
    %select_n3A_878 = arith.select %lt3A_877, %add3A_876, %select_n3A_859 : vector<8x2048xi1>, vector<8x2048xf32>
    %add3A_879 = arith.constant 3.600000e+02 : f32
    %add3A_880 = vector.broadcast %add3A_879 : f32 to vector<8x1xf32>
    %add3A_881 = arith.addf %convert_element_type3A_13, %add3A_880 : vector<8x1xf32>
    %broadcast_in_dim3A_882 = vector.shape_cast %add3A_881 : vector<8x1xf32> to vector<8x1xf32>
    %broadcast_in_dim3A_883 = vector.broadcast %broadcast_in_dim3A_882 : vector<8x1xf32> to vector<8x2048xf32>
    %select_n3A_884 = arith.select %lt3A_877, %broadcast_in_dim3A_883, %select_n3A_865 : vector<8x2048xi1>, vector<8x2048xf32>
    %slice3A_885 = vector.extract_strided_slice %get3A_3 {offsets = [368, 0], sizes = [8, 1], strides = [1, 1]} : vector<512x1xf32> to vector<8x1xf32>
    %slice3A_886 = vector.extract_strided_slice %get3A_6 {offsets = [368, 0], sizes = [8, 1], strides = [1, 1]} : vector<512x1xf32> to vector<8x1xf32>
    %sub3A_887 = vector.broadcast %get3A_9 : vector<1x2048xf32> to vector<8x2048xf32>
    %sub3A_888 = vector.broadcast %slice3A_885 : vector<8x1xf32> to vector<8x2048xf32>
    %sub3A_889 = arith.subf %sub3A_887, %sub3A_888 : vector<8x2048xf32>
    %sub3A_890 = vector.broadcast %get3A_12 : vector<1x2048xf32> to vector<8x2048xf32>
    %sub3A_891 = vector.broadcast %slice3A_886 : vector<8x1xf32> to vector<8x2048xf32>
    %sub3A_892 = arith.subf %sub3A_890, %sub3A_891 : vector<8x2048xf32>
    %mul3A_893 = arith.mulf %sub3A_889, %sub3A_889 : vector<8x2048xf32>
    %mul3A_894 = arith.mulf %sub3A_892, %sub3A_892 : vector<8x2048xf32>
    %add3A_895 = arith.addf %mul3A_893, %mul3A_894 : vector<8x2048xf32>
    %lt3A_896 = arith.cmpf olt, %add3A_895, %select_n3A_878 : vector<8x2048xf32>
    %select_n3A_897 = arith.select %lt3A_896, %add3A_895, %select_n3A_878 : vector<8x2048xi1>, vector<8x2048xf32>
    %add3A_898 = arith.constant 3.680000e+02 : f32
    %add3A_899 = vector.broadcast %add3A_898 : f32 to vector<8x1xf32>
    %add3A_900 = arith.addf %convert_element_type3A_13, %add3A_899 : vector<8x1xf32>
    %broadcast_in_dim3A_901 = vector.shape_cast %add3A_900 : vector<8x1xf32> to vector<8x1xf32>
    %broadcast_in_dim3A_902 = vector.broadcast %broadcast_in_dim3A_901 : vector<8x1xf32> to vector<8x2048xf32>
    %select_n3A_903 = arith.select %lt3A_896, %broadcast_in_dim3A_902, %select_n3A_884 : vector<8x2048xi1>, vector<8x2048xf32>
    %slice3A_904 = vector.extract_strided_slice %get3A_3 {offsets = [376, 0], sizes = [8, 1], strides = [1, 1]} : vector<512x1xf32> to vector<8x1xf32>
    %slice3A_905 = vector.extract_strided_slice %get3A_6 {offsets = [376, 0], sizes = [8, 1], strides = [1, 1]} : vector<512x1xf32> to vector<8x1xf32>
    %sub3A_906 = vector.broadcast %get3A_9 : vector<1x2048xf32> to vector<8x2048xf32>
    %sub3A_907 = vector.broadcast %slice3A_904 : vector<8x1xf32> to vector<8x2048xf32>
    %sub3A_908 = arith.subf %sub3A_906, %sub3A_907 : vector<8x2048xf32>
    %sub3A_909 = vector.broadcast %get3A_12 : vector<1x2048xf32> to vector<8x2048xf32>
    %sub3A_910 = vector.broadcast %slice3A_905 : vector<8x1xf32> to vector<8x2048xf32>
    %sub3A_911 = arith.subf %sub3A_909, %sub3A_910 : vector<8x2048xf32>
    %mul3A_912 = arith.mulf %sub3A_908, %sub3A_908 : vector<8x2048xf32>
    %mul3A_913 = arith.mulf %sub3A_911, %sub3A_911 : vector<8x2048xf32>
    %add3A_914 = arith.addf %mul3A_912, %mul3A_913 : vector<8x2048xf32>
    %lt3A_915 = arith.cmpf olt, %add3A_914, %select_n3A_897 : vector<8x2048xf32>
    %select_n3A_916 = arith.select %lt3A_915, %add3A_914, %select_n3A_897 : vector<8x2048xi1>, vector<8x2048xf32>
    %add3A_917 = arith.constant 3.760000e+02 : f32
    %add3A_918 = vector.broadcast %add3A_917 : f32 to vector<8x1xf32>
    %add3A_919 = arith.addf %convert_element_type3A_13, %add3A_918 : vector<8x1xf32>
    %broadcast_in_dim3A_920 = vector.shape_cast %add3A_919 : vector<8x1xf32> to vector<8x1xf32>
    %broadcast_in_dim3A_921 = vector.broadcast %broadcast_in_dim3A_920 : vector<8x1xf32> to vector<8x2048xf32>
    %select_n3A_922 = arith.select %lt3A_915, %broadcast_in_dim3A_921, %select_n3A_903 : vector<8x2048xi1>, vector<8x2048xf32>
    %slice3A_923 = vector.extract_strided_slice %get3A_3 {offsets = [384, 0], sizes = [8, 1], strides = [1, 1]} : vector<512x1xf32> to vector<8x1xf32>
    %slice3A_924 = vector.extract_strided_slice %get3A_6 {offsets = [384, 0], sizes = [8, 1], strides = [1, 1]} : vector<512x1xf32> to vector<8x1xf32>
    %sub3A_925 = vector.broadcast %get3A_9 : vector<1x2048xf32> to vector<8x2048xf32>
    %sub3A_926 = vector.broadcast %slice3A_923 : vector<8x1xf32> to vector<8x2048xf32>
    %sub3A_927 = arith.subf %sub3A_925, %sub3A_926 : vector<8x2048xf32>
    %sub3A_928 = vector.broadcast %get3A_12 : vector<1x2048xf32> to vector<8x2048xf32>
    %sub3A_929 = vector.broadcast %slice3A_924 : vector<8x1xf32> to vector<8x2048xf32>
    %sub3A_930 = arith.subf %sub3A_928, %sub3A_929 : vector<8x2048xf32>
    %mul3A_931 = arith.mulf %sub3A_927, %sub3A_927 : vector<8x2048xf32>
    %mul3A_932 = arith.mulf %sub3A_930, %sub3A_930 : vector<8x2048xf32>
    %add3A_933 = arith.addf %mul3A_931, %mul3A_932 : vector<8x2048xf32>
    %lt3A_934 = arith.cmpf olt, %add3A_933, %select_n3A_916 : vector<8x2048xf32>
    %select_n3A_935 = arith.select %lt3A_934, %add3A_933, %select_n3A_916 : vector<8x2048xi1>, vector<8x2048xf32>
    %add3A_936 = arith.constant 3.840000e+02 : f32
    %add3A_937 = vector.broadcast %add3A_936 : f32 to vector<8x1xf32>
    %add3A_938 = arith.addf %convert_element_type3A_13, %add3A_937 : vector<8x1xf32>
    %broadcast_in_dim3A_939 = vector.shape_cast %add3A_938 : vector<8x1xf32> to vector<8x1xf32>
    %broadcast_in_dim3A_940 = vector.broadcast %broadcast_in_dim3A_939 : vector<8x1xf32> to vector<8x2048xf32>
    %select_n3A_941 = arith.select %lt3A_934, %broadcast_in_dim3A_940, %select_n3A_922 : vector<8x2048xi1>, vector<8x2048xf32>
    %slice3A_942 = vector.extract_strided_slice %get3A_3 {offsets = [392, 0], sizes = [8, 1], strides = [1, 1]} : vector<512x1xf32> to vector<8x1xf32>
    %slice3A_943 = vector.extract_strided_slice %get3A_6 {offsets = [392, 0], sizes = [8, 1], strides = [1, 1]} : vector<512x1xf32> to vector<8x1xf32>
    %sub3A_944 = vector.broadcast %get3A_9 : vector<1x2048xf32> to vector<8x2048xf32>
    %sub3A_945 = vector.broadcast %slice3A_942 : vector<8x1xf32> to vector<8x2048xf32>
    %sub3A_946 = arith.subf %sub3A_944, %sub3A_945 : vector<8x2048xf32>
    %sub3A_947 = vector.broadcast %get3A_12 : vector<1x2048xf32> to vector<8x2048xf32>
    %sub3A_948 = vector.broadcast %slice3A_943 : vector<8x1xf32> to vector<8x2048xf32>
    %sub3A_949 = arith.subf %sub3A_947, %sub3A_948 : vector<8x2048xf32>
    %mul3A_950 = arith.mulf %sub3A_946, %sub3A_946 : vector<8x2048xf32>
    %mul3A_951 = arith.mulf %sub3A_949, %sub3A_949 : vector<8x2048xf32>
    %add3A_952 = arith.addf %mul3A_950, %mul3A_951 : vector<8x2048xf32>
    %lt3A_953 = arith.cmpf olt, %add3A_952, %select_n3A_935 : vector<8x2048xf32>
    %select_n3A_954 = arith.select %lt3A_953, %add3A_952, %select_n3A_935 : vector<8x2048xi1>, vector<8x2048xf32>
    %add3A_955 = arith.constant 3.920000e+02 : f32
    %add3A_956 = vector.broadcast %add3A_955 : f32 to vector<8x1xf32>
    %add3A_957 = arith.addf %convert_element_type3A_13, %add3A_956 : vector<8x1xf32>
    %broadcast_in_dim3A_958 = vector.shape_cast %add3A_957 : vector<8x1xf32> to vector<8x1xf32>
    %broadcast_in_dim3A_959 = vector.broadcast %broadcast_in_dim3A_958 : vector<8x1xf32> to vector<8x2048xf32>
    %select_n3A_960 = arith.select %lt3A_953, %broadcast_in_dim3A_959, %select_n3A_941 : vector<8x2048xi1>, vector<8x2048xf32>
    %slice3A_961 = vector.extract_strided_slice %get3A_3 {offsets = [400, 0], sizes = [8, 1], strides = [1, 1]} : vector<512x1xf32> to vector<8x1xf32>
    %slice3A_962 = vector.extract_strided_slice %get3A_6 {offsets = [400, 0], sizes = [8, 1], strides = [1, 1]} : vector<512x1xf32> to vector<8x1xf32>
    %sub3A_963 = vector.broadcast %get3A_9 : vector<1x2048xf32> to vector<8x2048xf32>
    %sub3A_964 = vector.broadcast %slice3A_961 : vector<8x1xf32> to vector<8x2048xf32>
    %sub3A_965 = arith.subf %sub3A_963, %sub3A_964 : vector<8x2048xf32>
    %sub3A_966 = vector.broadcast %get3A_12 : vector<1x2048xf32> to vector<8x2048xf32>
    %sub3A_967 = vector.broadcast %slice3A_962 : vector<8x1xf32> to vector<8x2048xf32>
    %sub3A_968 = arith.subf %sub3A_966, %sub3A_967 : vector<8x2048xf32>
    %mul3A_969 = arith.mulf %sub3A_965, %sub3A_965 : vector<8x2048xf32>
    %mul3A_970 = arith.mulf %sub3A_968, %sub3A_968 : vector<8x2048xf32>
    %add3A_971 = arith.addf %mul3A_969, %mul3A_970 : vector<8x2048xf32>
    %lt3A_972 = arith.cmpf olt, %add3A_971, %select_n3A_954 : vector<8x2048xf32>
    %select_n3A_973 = arith.select %lt3A_972, %add3A_971, %select_n3A_954 : vector<8x2048xi1>, vector<8x2048xf32>
    %add3A_974 = arith.constant 4.000000e+02 : f32
    %add3A_975 = vector.broadcast %add3A_974 : f32 to vector<8x1xf32>
    %add3A_976 = arith.addf %convert_element_type3A_13, %add3A_975 : vector<8x1xf32>
    %broadcast_in_dim3A_977 = vector.shape_cast %add3A_976 : vector<8x1xf32> to vector<8x1xf32>
    %broadcast_in_dim3A_978 = vector.broadcast %broadcast_in_dim3A_977 : vector<8x1xf32> to vector<8x2048xf32>
    %select_n3A_979 = arith.select %lt3A_972, %broadcast_in_dim3A_978, %select_n3A_960 : vector<8x2048xi1>, vector<8x2048xf32>
    %slice3A_980 = vector.extract_strided_slice %get3A_3 {offsets = [408, 0], sizes = [8, 1], strides = [1, 1]} : vector<512x1xf32> to vector<8x1xf32>
    %slice3A_981 = vector.extract_strided_slice %get3A_6 {offsets = [408, 0], sizes = [8, 1], strides = [1, 1]} : vector<512x1xf32> to vector<8x1xf32>
    %sub3A_982 = vector.broadcast %get3A_9 : vector<1x2048xf32> to vector<8x2048xf32>
    %sub3A_983 = vector.broadcast %slice3A_980 : vector<8x1xf32> to vector<8x2048xf32>
    %sub3A_984 = arith.subf %sub3A_982, %sub3A_983 : vector<8x2048xf32>
    %sub3A_985 = vector.broadcast %get3A_12 : vector<1x2048xf32> to vector<8x2048xf32>
    %sub3A_986 = vector.broadcast %slice3A_981 : vector<8x1xf32> to vector<8x2048xf32>
    %sub3A_987 = arith.subf %sub3A_985, %sub3A_986 : vector<8x2048xf32>
    %mul3A_988 = arith.mulf %sub3A_984, %sub3A_984 : vector<8x2048xf32>
    %mul3A_989 = arith.mulf %sub3A_987, %sub3A_987 : vector<8x2048xf32>
    %add3A_990 = arith.addf %mul3A_988, %mul3A_989 : vector<8x2048xf32>
    %lt3A_991 = arith.cmpf olt, %add3A_990, %select_n3A_973 : vector<8x2048xf32>
    %select_n3A_992 = arith.select %lt3A_991, %add3A_990, %select_n3A_973 : vector<8x2048xi1>, vector<8x2048xf32>
    %add3A_993 = arith.constant 4.080000e+02 : f32
    %add3A_994 = vector.broadcast %add3A_993 : f32 to vector<8x1xf32>
    %add3A_995 = arith.addf %convert_element_type3A_13, %add3A_994 : vector<8x1xf32>
    %broadcast_in_dim3A_996 = vector.shape_cast %add3A_995 : vector<8x1xf32> to vector<8x1xf32>
    %broadcast_in_dim3A_997 = vector.broadcast %broadcast_in_dim3A_996 : vector<8x1xf32> to vector<8x2048xf32>
    %select_n3A_998 = arith.select %lt3A_991, %broadcast_in_dim3A_997, %select_n3A_979 : vector<8x2048xi1>, vector<8x2048xf32>
    %slice3A_999 = vector.extract_strided_slice %get3A_3 {offsets = [416, 0], sizes = [8, 1], strides = [1, 1]} : vector<512x1xf32> to vector<8x1xf32>
    %slice3A_1000 = vector.extract_strided_slice %get3A_6 {offsets = [416, 0], sizes = [8, 1], strides = [1, 1]} : vector<512x1xf32> to vector<8x1xf32>
    %sub3A_1001 = vector.broadcast %get3A_9 : vector<1x2048xf32> to vector<8x2048xf32>
    %sub3A_1002 = vector.broadcast %slice3A_999 : vector<8x1xf32> to vector<8x2048xf32>
    %sub3A_1003 = arith.subf %sub3A_1001, %sub3A_1002 : vector<8x2048xf32>
    %sub3A_1004 = vector.broadcast %get3A_12 : vector<1x2048xf32> to vector<8x2048xf32>
    %sub3A_1005 = vector.broadcast %slice3A_1000 : vector<8x1xf32> to vector<8x2048xf32>
    %sub3A_1006 = arith.subf %sub3A_1004, %sub3A_1005 : vector<8x2048xf32>
    %mul3A_1007 = arith.mulf %sub3A_1003, %sub3A_1003 : vector<8x2048xf32>
    %mul3A_1008 = arith.mulf %sub3A_1006, %sub3A_1006 : vector<8x2048xf32>
    %add3A_1009 = arith.addf %mul3A_1007, %mul3A_1008 : vector<8x2048xf32>
    %lt3A_1010 = arith.cmpf olt, %add3A_1009, %select_n3A_992 : vector<8x2048xf32>
    %select_n3A_1011 = arith.select %lt3A_1010, %add3A_1009, %select_n3A_992 : vector<8x2048xi1>, vector<8x2048xf32>
    %add3A_1012 = arith.constant 4.160000e+02 : f32
    %add3A_1013 = vector.broadcast %add3A_1012 : f32 to vector<8x1xf32>
    %add3A_1014 = arith.addf %convert_element_type3A_13, %add3A_1013 : vector<8x1xf32>
    %broadcast_in_dim3A_1015 = vector.shape_cast %add3A_1014 : vector<8x1xf32> to vector<8x1xf32>
    %broadcast_in_dim3A_1016 = vector.broadcast %broadcast_in_dim3A_1015 : vector<8x1xf32> to vector<8x2048xf32>
    %select_n3A_1017 = arith.select %lt3A_1010, %broadcast_in_dim3A_1016, %select_n3A_998 : vector<8x2048xi1>, vector<8x2048xf32>
    %slice3A_1018 = vector.extract_strided_slice %get3A_3 {offsets = [424, 0], sizes = [8, 1], strides = [1, 1]} : vector<512x1xf32> to vector<8x1xf32>
    %slice3A_1019 = vector.extract_strided_slice %get3A_6 {offsets = [424, 0], sizes = [8, 1], strides = [1, 1]} : vector<512x1xf32> to vector<8x1xf32>
    %sub3A_1020 = vector.broadcast %get3A_9 : vector<1x2048xf32> to vector<8x2048xf32>
    %sub3A_1021 = vector.broadcast %slice3A_1018 : vector<8x1xf32> to vector<8x2048xf32>
    %sub3A_1022 = arith.subf %sub3A_1020, %sub3A_1021 : vector<8x2048xf32>
    %sub3A_1023 = vector.broadcast %get3A_12 : vector<1x2048xf32> to vector<8x2048xf32>
    %sub3A_1024 = vector.broadcast %slice3A_1019 : vector<8x1xf32> to vector<8x2048xf32>
    %sub3A_1025 = arith.subf %sub3A_1023, %sub3A_1024 : vector<8x2048xf32>
    %mul3A_1026 = arith.mulf %sub3A_1022, %sub3A_1022 : vector<8x2048xf32>
    %mul3A_1027 = arith.mulf %sub3A_1025, %sub3A_1025 : vector<8x2048xf32>
    %add3A_1028 = arith.addf %mul3A_1026, %mul3A_1027 : vector<8x2048xf32>
    %lt3A_1029 = arith.cmpf olt, %add3A_1028, %select_n3A_1011 : vector<8x2048xf32>
    %select_n3A_1030 = arith.select %lt3A_1029, %add3A_1028, %select_n3A_1011 : vector<8x2048xi1>, vector<8x2048xf32>
    %add3A_1031 = arith.constant 4.240000e+02 : f32
    %add3A_1032 = vector.broadcast %add3A_1031 : f32 to vector<8x1xf32>
    %add3A_1033 = arith.addf %convert_element_type3A_13, %add3A_1032 : vector<8x1xf32>
    %broadcast_in_dim3A_1034 = vector.shape_cast %add3A_1033 : vector<8x1xf32> to vector<8x1xf32>
    %broadcast_in_dim3A_1035 = vector.broadcast %broadcast_in_dim3A_1034 : vector<8x1xf32> to vector<8x2048xf32>
    %select_n3A_1036 = arith.select %lt3A_1029, %broadcast_in_dim3A_1035, %select_n3A_1017 : vector<8x2048xi1>, vector<8x2048xf32>
    %slice3A_1037 = vector.extract_strided_slice %get3A_3 {offsets = [432, 0], sizes = [8, 1], strides = [1, 1]} : vector<512x1xf32> to vector<8x1xf32>
    %slice3A_1038 = vector.extract_strided_slice %get3A_6 {offsets = [432, 0], sizes = [8, 1], strides = [1, 1]} : vector<512x1xf32> to vector<8x1xf32>
    %sub3A_1039 = vector.broadcast %get3A_9 : vector<1x2048xf32> to vector<8x2048xf32>
    %sub3A_1040 = vector.broadcast %slice3A_1037 : vector<8x1xf32> to vector<8x2048xf32>
    %sub3A_1041 = arith.subf %sub3A_1039, %sub3A_1040 : vector<8x2048xf32>
    %sub3A_1042 = vector.broadcast %get3A_12 : vector<1x2048xf32> to vector<8x2048xf32>
    %sub3A_1043 = vector.broadcast %slice3A_1038 : vector<8x1xf32> to vector<8x2048xf32>
    %sub3A_1044 = arith.subf %sub3A_1042, %sub3A_1043 : vector<8x2048xf32>
    %mul3A_1045 = arith.mulf %sub3A_1041, %sub3A_1041 : vector<8x2048xf32>
    %mul3A_1046 = arith.mulf %sub3A_1044, %sub3A_1044 : vector<8x2048xf32>
    %add3A_1047 = arith.addf %mul3A_1045, %mul3A_1046 : vector<8x2048xf32>
    %lt3A_1048 = arith.cmpf olt, %add3A_1047, %select_n3A_1030 : vector<8x2048xf32>
    %select_n3A_1049 = arith.select %lt3A_1048, %add3A_1047, %select_n3A_1030 : vector<8x2048xi1>, vector<8x2048xf32>
    %add3A_1050 = arith.constant 4.320000e+02 : f32
    %add3A_1051 = vector.broadcast %add3A_1050 : f32 to vector<8x1xf32>
    %add3A_1052 = arith.addf %convert_element_type3A_13, %add3A_1051 : vector<8x1xf32>
    %broadcast_in_dim3A_1053 = vector.shape_cast %add3A_1052 : vector<8x1xf32> to vector<8x1xf32>
    %broadcast_in_dim3A_1054 = vector.broadcast %broadcast_in_dim3A_1053 : vector<8x1xf32> to vector<8x2048xf32>
    %select_n3A_1055 = arith.select %lt3A_1048, %broadcast_in_dim3A_1054, %select_n3A_1036 : vector<8x2048xi1>, vector<8x2048xf32>
    %slice3A_1056 = vector.extract_strided_slice %get3A_3 {offsets = [440, 0], sizes = [8, 1], strides = [1, 1]} : vector<512x1xf32> to vector<8x1xf32>
    %slice3A_1057 = vector.extract_strided_slice %get3A_6 {offsets = [440, 0], sizes = [8, 1], strides = [1, 1]} : vector<512x1xf32> to vector<8x1xf32>
    %sub3A_1058 = vector.broadcast %get3A_9 : vector<1x2048xf32> to vector<8x2048xf32>
    %sub3A_1059 = vector.broadcast %slice3A_1056 : vector<8x1xf32> to vector<8x2048xf32>
    %sub3A_1060 = arith.subf %sub3A_1058, %sub3A_1059 : vector<8x2048xf32>
    %sub3A_1061 = vector.broadcast %get3A_12 : vector<1x2048xf32> to vector<8x2048xf32>
    %sub3A_1062 = vector.broadcast %slice3A_1057 : vector<8x1xf32> to vector<8x2048xf32>
    %sub3A_1063 = arith.subf %sub3A_1061, %sub3A_1062 : vector<8x2048xf32>
    %mul3A_1064 = arith.mulf %sub3A_1060, %sub3A_1060 : vector<8x2048xf32>
    %mul3A_1065 = arith.mulf %sub3A_1063, %sub3A_1063 : vector<8x2048xf32>
    %add3A_1066 = arith.addf %mul3A_1064, %mul3A_1065 : vector<8x2048xf32>
    %lt3A_1067 = arith.cmpf olt, %add3A_1066, %select_n3A_1049 : vector<8x2048xf32>
    %select_n3A_1068 = arith.select %lt3A_1067, %add3A_1066, %select_n3A_1049 : vector<8x2048xi1>, vector<8x2048xf32>
    %add3A_1069 = arith.constant 4.400000e+02 : f32
    %add3A_1070 = vector.broadcast %add3A_1069 : f32 to vector<8x1xf32>
    %add3A_1071 = arith.addf %convert_element_type3A_13, %add3A_1070 : vector<8x1xf32>
    %broadcast_in_dim3A_1072 = vector.shape_cast %add3A_1071 : vector<8x1xf32> to vector<8x1xf32>
    %broadcast_in_dim3A_1073 = vector.broadcast %broadcast_in_dim3A_1072 : vector<8x1xf32> to vector<8x2048xf32>
    %select_n3A_1074 = arith.select %lt3A_1067, %broadcast_in_dim3A_1073, %select_n3A_1055 : vector<8x2048xi1>, vector<8x2048xf32>
    %slice3A_1075 = vector.extract_strided_slice %get3A_3 {offsets = [448, 0], sizes = [8, 1], strides = [1, 1]} : vector<512x1xf32> to vector<8x1xf32>
    %slice3A_1076 = vector.extract_strided_slice %get3A_6 {offsets = [448, 0], sizes = [8, 1], strides = [1, 1]} : vector<512x1xf32> to vector<8x1xf32>
    %sub3A_1077 = vector.broadcast %get3A_9 : vector<1x2048xf32> to vector<8x2048xf32>
    %sub3A_1078 = vector.broadcast %slice3A_1075 : vector<8x1xf32> to vector<8x2048xf32>
    %sub3A_1079 = arith.subf %sub3A_1077, %sub3A_1078 : vector<8x2048xf32>
    %sub3A_1080 = vector.broadcast %get3A_12 : vector<1x2048xf32> to vector<8x2048xf32>
    %sub3A_1081 = vector.broadcast %slice3A_1076 : vector<8x1xf32> to vector<8x2048xf32>
    %sub3A_1082 = arith.subf %sub3A_1080, %sub3A_1081 : vector<8x2048xf32>
    %mul3A_1083 = arith.mulf %sub3A_1079, %sub3A_1079 : vector<8x2048xf32>
    %mul3A_1084 = arith.mulf %sub3A_1082, %sub3A_1082 : vector<8x2048xf32>
    %add3A_1085 = arith.addf %mul3A_1083, %mul3A_1084 : vector<8x2048xf32>
    %lt3A_1086 = arith.cmpf olt, %add3A_1085, %select_n3A_1068 : vector<8x2048xf32>
    %select_n3A_1087 = arith.select %lt3A_1086, %add3A_1085, %select_n3A_1068 : vector<8x2048xi1>, vector<8x2048xf32>
    %add3A_1088 = arith.constant 4.480000e+02 : f32
    %add3A_1089 = vector.broadcast %add3A_1088 : f32 to vector<8x1xf32>
    %add3A_1090 = arith.addf %convert_element_type3A_13, %add3A_1089 : vector<8x1xf32>
    %broadcast_in_dim3A_1091 = vector.shape_cast %add3A_1090 : vector<8x1xf32> to vector<8x1xf32>
    %broadcast_in_dim3A_1092 = vector.broadcast %broadcast_in_dim3A_1091 : vector<8x1xf32> to vector<8x2048xf32>
    %select_n3A_1093 = arith.select %lt3A_1086, %broadcast_in_dim3A_1092, %select_n3A_1074 : vector<8x2048xi1>, vector<8x2048xf32>
    %slice3A_1094 = vector.extract_strided_slice %get3A_3 {offsets = [456, 0], sizes = [8, 1], strides = [1, 1]} : vector<512x1xf32> to vector<8x1xf32>
    %slice3A_1095 = vector.extract_strided_slice %get3A_6 {offsets = [456, 0], sizes = [8, 1], strides = [1, 1]} : vector<512x1xf32> to vector<8x1xf32>
    %sub3A_1096 = vector.broadcast %get3A_9 : vector<1x2048xf32> to vector<8x2048xf32>
    %sub3A_1097 = vector.broadcast %slice3A_1094 : vector<8x1xf32> to vector<8x2048xf32>
    %sub3A_1098 = arith.subf %sub3A_1096, %sub3A_1097 : vector<8x2048xf32>
    %sub3A_1099 = vector.broadcast %get3A_12 : vector<1x2048xf32> to vector<8x2048xf32>
    %sub3A_1100 = vector.broadcast %slice3A_1095 : vector<8x1xf32> to vector<8x2048xf32>
    %sub3A_1101 = arith.subf %sub3A_1099, %sub3A_1100 : vector<8x2048xf32>
    %mul3A_1102 = arith.mulf %sub3A_1098, %sub3A_1098 : vector<8x2048xf32>
    %mul3A_1103 = arith.mulf %sub3A_1101, %sub3A_1101 : vector<8x2048xf32>
    %add3A_1104 = arith.addf %mul3A_1102, %mul3A_1103 : vector<8x2048xf32>
    %lt3A_1105 = arith.cmpf olt, %add3A_1104, %select_n3A_1087 : vector<8x2048xf32>
    %select_n3A_1106 = arith.select %lt3A_1105, %add3A_1104, %select_n3A_1087 : vector<8x2048xi1>, vector<8x2048xf32>
    %add3A_1107 = arith.constant 4.560000e+02 : f32
    %add3A_1108 = vector.broadcast %add3A_1107 : f32 to vector<8x1xf32>
    %add3A_1109 = arith.addf %convert_element_type3A_13, %add3A_1108 : vector<8x1xf32>
    %broadcast_in_dim3A_1110 = vector.shape_cast %add3A_1109 : vector<8x1xf32> to vector<8x1xf32>
    %broadcast_in_dim3A_1111 = vector.broadcast %broadcast_in_dim3A_1110 : vector<8x1xf32> to vector<8x2048xf32>
    %select_n3A_1112 = arith.select %lt3A_1105, %broadcast_in_dim3A_1111, %select_n3A_1093 : vector<8x2048xi1>, vector<8x2048xf32>
    %slice3A_1113 = vector.extract_strided_slice %get3A_3 {offsets = [464, 0], sizes = [8, 1], strides = [1, 1]} : vector<512x1xf32> to vector<8x1xf32>
    %slice3A_1114 = vector.extract_strided_slice %get3A_6 {offsets = [464, 0], sizes = [8, 1], strides = [1, 1]} : vector<512x1xf32> to vector<8x1xf32>
    %sub3A_1115 = vector.broadcast %get3A_9 : vector<1x2048xf32> to vector<8x2048xf32>
    %sub3A_1116 = vector.broadcast %slice3A_1113 : vector<8x1xf32> to vector<8x2048xf32>
    %sub3A_1117 = arith.subf %sub3A_1115, %sub3A_1116 : vector<8x2048xf32>
    %sub3A_1118 = vector.broadcast %get3A_12 : vector<1x2048xf32> to vector<8x2048xf32>
    %sub3A_1119 = vector.broadcast %slice3A_1114 : vector<8x1xf32> to vector<8x2048xf32>
    %sub3A_1120 = arith.subf %sub3A_1118, %sub3A_1119 : vector<8x2048xf32>
    %mul3A_1121 = arith.mulf %sub3A_1117, %sub3A_1117 : vector<8x2048xf32>
    %mul3A_1122 = arith.mulf %sub3A_1120, %sub3A_1120 : vector<8x2048xf32>
    %add3A_1123 = arith.addf %mul3A_1121, %mul3A_1122 : vector<8x2048xf32>
    %lt3A_1124 = arith.cmpf olt, %add3A_1123, %select_n3A_1106 : vector<8x2048xf32>
    %select_n3A_1125 = arith.select %lt3A_1124, %add3A_1123, %select_n3A_1106 : vector<8x2048xi1>, vector<8x2048xf32>
    %add3A_1126 = arith.constant 4.640000e+02 : f32
    %add3A_1127 = vector.broadcast %add3A_1126 : f32 to vector<8x1xf32>
    %add3A_1128 = arith.addf %convert_element_type3A_13, %add3A_1127 : vector<8x1xf32>
    %broadcast_in_dim3A_1129 = vector.shape_cast %add3A_1128 : vector<8x1xf32> to vector<8x1xf32>
    %broadcast_in_dim3A_1130 = vector.broadcast %broadcast_in_dim3A_1129 : vector<8x1xf32> to vector<8x2048xf32>
    %select_n3A_1131 = arith.select %lt3A_1124, %broadcast_in_dim3A_1130, %select_n3A_1112 : vector<8x2048xi1>, vector<8x2048xf32>
    %slice3A_1132 = vector.extract_strided_slice %get3A_3 {offsets = [472, 0], sizes = [8, 1], strides = [1, 1]} : vector<512x1xf32> to vector<8x1xf32>
    %slice3A_1133 = vector.extract_strided_slice %get3A_6 {offsets = [472, 0], sizes = [8, 1], strides = [1, 1]} : vector<512x1xf32> to vector<8x1xf32>
    %sub3A_1134 = vector.broadcast %get3A_9 : vector<1x2048xf32> to vector<8x2048xf32>
    %sub3A_1135 = vector.broadcast %slice3A_1132 : vector<8x1xf32> to vector<8x2048xf32>
    %sub3A_1136 = arith.subf %sub3A_1134, %sub3A_1135 : vector<8x2048xf32>
    %sub3A_1137 = vector.broadcast %get3A_12 : vector<1x2048xf32> to vector<8x2048xf32>
    %sub3A_1138 = vector.broadcast %slice3A_1133 : vector<8x1xf32> to vector<8x2048xf32>
    %sub3A_1139 = arith.subf %sub3A_1137, %sub3A_1138 : vector<8x2048xf32>
    %mul3A_1140 = arith.mulf %sub3A_1136, %sub3A_1136 : vector<8x2048xf32>
    %mul3A_1141 = arith.mulf %sub3A_1139, %sub3A_1139 : vector<8x2048xf32>
    %add3A_1142 = arith.addf %mul3A_1140, %mul3A_1141 : vector<8x2048xf32>
    %lt3A_1143 = arith.cmpf olt, %add3A_1142, %select_n3A_1125 : vector<8x2048xf32>
    %select_n3A_1144 = arith.select %lt3A_1143, %add3A_1142, %select_n3A_1125 : vector<8x2048xi1>, vector<8x2048xf32>
    %add3A_1145 = arith.constant 4.720000e+02 : f32
    %add3A_1146 = vector.broadcast %add3A_1145 : f32 to vector<8x1xf32>
    %add3A_1147 = arith.addf %convert_element_type3A_13, %add3A_1146 : vector<8x1xf32>
    %broadcast_in_dim3A_1148 = vector.shape_cast %add3A_1147 : vector<8x1xf32> to vector<8x1xf32>
    %broadcast_in_dim3A_1149 = vector.broadcast %broadcast_in_dim3A_1148 : vector<8x1xf32> to vector<8x2048xf32>
    %select_n3A_1150 = arith.select %lt3A_1143, %broadcast_in_dim3A_1149, %select_n3A_1131 : vector<8x2048xi1>, vector<8x2048xf32>
    %slice3A_1151 = vector.extract_strided_slice %get3A_3 {offsets = [480, 0], sizes = [8, 1], strides = [1, 1]} : vector<512x1xf32> to vector<8x1xf32>
    %slice3A_1152 = vector.extract_strided_slice %get3A_6 {offsets = [480, 0], sizes = [8, 1], strides = [1, 1]} : vector<512x1xf32> to vector<8x1xf32>
    %sub3A_1153 = vector.broadcast %get3A_9 : vector<1x2048xf32> to vector<8x2048xf32>
    %sub3A_1154 = vector.broadcast %slice3A_1151 : vector<8x1xf32> to vector<8x2048xf32>
    %sub3A_1155 = arith.subf %sub3A_1153, %sub3A_1154 : vector<8x2048xf32>
    %sub3A_1156 = vector.broadcast %get3A_12 : vector<1x2048xf32> to vector<8x2048xf32>
    %sub3A_1157 = vector.broadcast %slice3A_1152 : vector<8x1xf32> to vector<8x2048xf32>
    %sub3A_1158 = arith.subf %sub3A_1156, %sub3A_1157 : vector<8x2048xf32>
    %mul3A_1159 = arith.mulf %sub3A_1155, %sub3A_1155 : vector<8x2048xf32>
    %mul3A_1160 = arith.mulf %sub3A_1158, %sub3A_1158 : vector<8x2048xf32>
    %add3A_1161 = arith.addf %mul3A_1159, %mul3A_1160 : vector<8x2048xf32>
    %lt3A_1162 = arith.cmpf olt, %add3A_1161, %select_n3A_1144 : vector<8x2048xf32>
    %select_n3A_1163 = arith.select %lt3A_1162, %add3A_1161, %select_n3A_1144 : vector<8x2048xi1>, vector<8x2048xf32>
    %add3A_1164 = arith.constant 4.800000e+02 : f32
    %add3A_1165 = vector.broadcast %add3A_1164 : f32 to vector<8x1xf32>
    %add3A_1166 = arith.addf %convert_element_type3A_13, %add3A_1165 : vector<8x1xf32>
    %broadcast_in_dim3A_1167 = vector.shape_cast %add3A_1166 : vector<8x1xf32> to vector<8x1xf32>
    %broadcast_in_dim3A_1168 = vector.broadcast %broadcast_in_dim3A_1167 : vector<8x1xf32> to vector<8x2048xf32>
    %select_n3A_1169 = arith.select %lt3A_1162, %broadcast_in_dim3A_1168, %select_n3A_1150 : vector<8x2048xi1>, vector<8x2048xf32>
    %slice3A_1170 = vector.extract_strided_slice %get3A_3 {offsets = [488, 0], sizes = [8, 1], strides = [1, 1]} : vector<512x1xf32> to vector<8x1xf32>
    %slice3A_1171 = vector.extract_strided_slice %get3A_6 {offsets = [488, 0], sizes = [8, 1], strides = [1, 1]} : vector<512x1xf32> to vector<8x1xf32>
    %sub3A_1172 = vector.broadcast %get3A_9 : vector<1x2048xf32> to vector<8x2048xf32>
    %sub3A_1173 = vector.broadcast %slice3A_1170 : vector<8x1xf32> to vector<8x2048xf32>
    %sub3A_1174 = arith.subf %sub3A_1172, %sub3A_1173 : vector<8x2048xf32>
    %sub3A_1175 = vector.broadcast %get3A_12 : vector<1x2048xf32> to vector<8x2048xf32>
    %sub3A_1176 = vector.broadcast %slice3A_1171 : vector<8x1xf32> to vector<8x2048xf32>
    %sub3A_1177 = arith.subf %sub3A_1175, %sub3A_1176 : vector<8x2048xf32>
    %mul3A_1178 = arith.mulf %sub3A_1174, %sub3A_1174 : vector<8x2048xf32>
    %mul3A_1179 = arith.mulf %sub3A_1177, %sub3A_1177 : vector<8x2048xf32>
    %add3A_1180 = arith.addf %mul3A_1178, %mul3A_1179 : vector<8x2048xf32>
    %lt3A_1181 = arith.cmpf olt, %add3A_1180, %select_n3A_1163 : vector<8x2048xf32>
    %select_n3A_1182 = arith.select %lt3A_1181, %add3A_1180, %select_n3A_1163 : vector<8x2048xi1>, vector<8x2048xf32>
    %add3A_1183 = arith.constant 4.880000e+02 : f32
    %add3A_1184 = vector.broadcast %add3A_1183 : f32 to vector<8x1xf32>
    %add3A_1185 = arith.addf %convert_element_type3A_13, %add3A_1184 : vector<8x1xf32>
    %broadcast_in_dim3A_1186 = vector.shape_cast %add3A_1185 : vector<8x1xf32> to vector<8x1xf32>
    %broadcast_in_dim3A_1187 = vector.broadcast %broadcast_in_dim3A_1186 : vector<8x1xf32> to vector<8x2048xf32>
    %select_n3A_1188 = arith.select %lt3A_1181, %broadcast_in_dim3A_1187, %select_n3A_1169 : vector<8x2048xi1>, vector<8x2048xf32>
    %slice3A_1189 = vector.extract_strided_slice %get3A_3 {offsets = [496, 0], sizes = [8, 1], strides = [1, 1]} : vector<512x1xf32> to vector<8x1xf32>
    %slice3A_1190 = vector.extract_strided_slice %get3A_6 {offsets = [496, 0], sizes = [8, 1], strides = [1, 1]} : vector<512x1xf32> to vector<8x1xf32>
    %sub3A_1191 = vector.broadcast %get3A_9 : vector<1x2048xf32> to vector<8x2048xf32>
    %sub3A_1192 = vector.broadcast %slice3A_1189 : vector<8x1xf32> to vector<8x2048xf32>
    %sub3A_1193 = arith.subf %sub3A_1191, %sub3A_1192 : vector<8x2048xf32>
    %sub3A_1194 = vector.broadcast %get3A_12 : vector<1x2048xf32> to vector<8x2048xf32>
    %sub3A_1195 = vector.broadcast %slice3A_1190 : vector<8x1xf32> to vector<8x2048xf32>
    %sub3A_1196 = arith.subf %sub3A_1194, %sub3A_1195 : vector<8x2048xf32>
    %mul3A_1197 = arith.mulf %sub3A_1193, %sub3A_1193 : vector<8x2048xf32>
    %mul3A_1198 = arith.mulf %sub3A_1196, %sub3A_1196 : vector<8x2048xf32>
    %add3A_1199 = arith.addf %mul3A_1197, %mul3A_1198 : vector<8x2048xf32>
    %lt3A_1200 = arith.cmpf olt, %add3A_1199, %select_n3A_1182 : vector<8x2048xf32>
    %select_n3A_1201 = arith.select %lt3A_1200, %add3A_1199, %select_n3A_1182 : vector<8x2048xi1>, vector<8x2048xf32>
    %add3A_1202 = arith.constant 4.960000e+02 : f32
    %add3A_1203 = vector.broadcast %add3A_1202 : f32 to vector<8x1xf32>
    %add3A_1204 = arith.addf %convert_element_type3A_13, %add3A_1203 : vector<8x1xf32>
    %broadcast_in_dim3A_1205 = vector.shape_cast %add3A_1204 : vector<8x1xf32> to vector<8x1xf32>
    %broadcast_in_dim3A_1206 = vector.broadcast %broadcast_in_dim3A_1205 : vector<8x1xf32> to vector<8x2048xf32>
    %select_n3A_1207 = arith.select %lt3A_1200, %broadcast_in_dim3A_1206, %select_n3A_1188 : vector<8x2048xi1>, vector<8x2048xf32>
    %slice3A_1208 = vector.extract_strided_slice %get3A_3 {offsets = [504, 0], sizes = [8, 1], strides = [1, 1]} : vector<512x1xf32> to vector<8x1xf32>
    %slice3A_1209 = vector.extract_strided_slice %get3A_6 {offsets = [504, 0], sizes = [8, 1], strides = [1, 1]} : vector<512x1xf32> to vector<8x1xf32>
    %sub3A_1210 = vector.broadcast %get3A_9 : vector<1x2048xf32> to vector<8x2048xf32>
    %sub3A_1211 = vector.broadcast %slice3A_1208 : vector<8x1xf32> to vector<8x2048xf32>
    %sub3A_1212 = arith.subf %sub3A_1210, %sub3A_1211 : vector<8x2048xf32>
    %sub3A_1213 = vector.broadcast %get3A_12 : vector<1x2048xf32> to vector<8x2048xf32>
    %sub3A_1214 = vector.broadcast %slice3A_1209 : vector<8x1xf32> to vector<8x2048xf32>
    %sub3A_1215 = arith.subf %sub3A_1213, %sub3A_1214 : vector<8x2048xf32>
    %mul3A_1216 = arith.mulf %sub3A_1212, %sub3A_1212 : vector<8x2048xf32>
    %mul3A_1217 = arith.mulf %sub3A_1215, %sub3A_1215 : vector<8x2048xf32>
    %add3A_1218 = arith.addf %mul3A_1216, %mul3A_1217 : vector<8x2048xf32>
    %lt3A_1219 = arith.cmpf olt, %add3A_1218, %select_n3A_1201 : vector<8x2048xf32>
    %select_n3A_1220 = arith.select %lt3A_1219, %add3A_1218, %select_n3A_1201 : vector<8x2048xi1>, vector<8x2048xf32>
    %add3A_1221 = arith.constant 5.040000e+02 : f32
    %add3A_1222 = vector.broadcast %add3A_1221 : f32 to vector<8x1xf32>
    %add3A_1223 = arith.addf %convert_element_type3A_13, %add3A_1222 : vector<8x1xf32>
    %broadcast_in_dim3A_1224 = vector.shape_cast %add3A_1223 : vector<8x1xf32> to vector<8x1xf32>
    %broadcast_in_dim3A_1225 = vector.broadcast %broadcast_in_dim3A_1224 : vector<8x1xf32> to vector<8x2048xf32>
    %select_n3A_1226 = arith.select %lt3A_1219, %broadcast_in_dim3A_1225, %select_n3A_1207 : vector<8x2048xi1>, vector<8x2048xf32>
    %reduce_min3A = arith.constant dense<0x7F800000> : vector<2048xf32>
    %reduce_min3A_1227 = vector.multi_reduction <minimumf>, %select_n3A_1220, %reduce_min3A [0] : vector<8x2048xf32> to vector<2048xf32>
    %broadcast_in_dim3A_1228 = vector.shape_cast %reduce_min3A_1227 : vector<2048xf32> to vector<1x2048xf32>
    %eq3A_1229 = vector.broadcast %broadcast_in_dim3A_1228 : vector<1x2048xf32> to vector<8x2048xf32>
    %eq3A_1230 = arith.cmpf oeq, %select_n3A_1220, %eq3A_1229 : vector<8x2048xf32>
    %jit3A = arith.constant 5.120000e+02 : f32
    %broadcast_in_dim3A_1231 = vector.broadcast %jit3A : f32 to vector<8x2048xf32>
    %select_n3A_1232 = arith.select %eq3A_1230, %select_n3A_1226, %broadcast_in_dim3A_1231 : vector<8x2048xi1>, vector<8x2048xf32>
    %reduce_min3A_1233 = arith.constant dense<0x7F800000> : vector<2048xf32>
    %reduce_min3A_1234 = vector.multi_reduction <minimumf>, %select_n3A_1232, %reduce_min3A_1233 [0] : vector<8x2048xf32> to vector<2048xf32>
    %convert_element_type3A_1235 = arith.fptosi %reduce_min3A_1234 : vector<2048xf32> to vector<2048xi32>
    %swap3A = arith.constant 0 : index
    %swap3A_1236 = vector.load %arg4[%swap3A] : memref<2048xi32, #tpu.memory_space<vmem>>, vector<2048xi32>
    tpu.vector_store %arg4[%swap3A], %convert_element_type3A_1235 {strides = array<i32>} : memref<2048xi32, #tpu.memory_space<vmem>>, vector<2048xi32>,
    return
  }
  func.func @transform_0(%arg0: i32) -> (i32, i32, i32) {
    %c0_i32 = arith.constant 0 : i32
    %c0_i32_0 = arith.constant 0 : i32
    %c0_i32_1 = arith.constant 0 : i32
    %c0_i32_2 = arith.constant 0 : i32
    return %c0_i32, %c0_i32_0, %c0_i32_1 : i32, i32, i32
  }
  func.func @transform_1(%arg0: i32) -> (i32, i32) {
    %c0_i32 = arith.constant 0 : i32
    %c0_i32_0 = arith.constant 0 : i32
    return %c0_i32, %arg0 : i32, i32
  }
  func.func @transform_2(%arg0: i32) -> (i32, i32) {
    %c0_i32 = arith.constant 0 : i32
    %c0_i32_0 = arith.constant 0 : i32
    %c0_i32_1 = arith.constant 0 : i32
    return %c0_i32, %c0_i32_0 : i32, i32
  }
  func.func @transform_3(%arg0: i32) -> i32 {
    %c0_i32 = arith.constant 0 : i32
    return %arg0 : i32
  }
}

</mosaic_0001>

<sc_bundles>
// kernel: kernel.4.cloned.1.call-start
scs
__scs_entry_jumppad:
0x0: {  	(pc) =	sbr.rel $0x88, $3  }
0x1: {  	(tag) =	ssettag $0x0;
	lr =	simm.s32 $0x1  }
0x2: {  	[smem:$0x3F9F] =	sst lr;
	_ =	strace $0xD0000000  }
0x3: {  	_ = 	snop  }
0x4: {  	_ = 	snop  }
0x5: {  	_ = 	snop  }
0x6: {  	_ = 	snop  }
0x7: {  	_ = 	snop  }
__scs_overlays_trampoline_lowered:
0x8: {  	[smem:$0x3FAE] =	sst s0  }
0x9: {  	[smem:$0x3FAF] =	sst s1  }
0xa: {  	[smem:$0x3FB0] =	sst s2  }
0xb: {  	[smem:$0x3FB1] =	sst s3  }
0xc: {  	[smem:$0x3FB2] =	sst s4  }
0xd: {  	[smem:$0x3FB3] =	sst s5  }
0xe: {  	[smem:$0x3FB4] =	sst s6  }
0xf: {  	[smem:$0x3FB5] =	sst s7  }
0x10: {  	[smem:$0x3FB6] =	sst s8  }
0x11: {  	[smem:$0x3FB7] =	sst s9;
	s0 =	simm.s32 @!p0 $0x0  }
0x12: {  	s1 =	sld [smem:$0x3F9D];
	s0 =	simm.s32 @p0 $0x1  }
0x13: {  	[smem:$0x3FB8] =	sst s0;
	s0 =	simm.s32 @!p1 $0x0  }
0x14: {  	s2 =	sld [smem:$0x3F9C];
	s0 =	simm.s32 @p1 $0x1  }
0x15: {  	[smem:$0x3FB9] =	sst s0;
	s0 =	simm.s32 @!p2 $0x0  }
0x16: {  	s3 =	sld [smem:$0x3FDB];
	s0 =	simm.s32 @p2 $0x1  }
0x17: {  	s4 =	simm.s32 $0x1BF5;
	[smem:$0x3FBB] =	sst s0  }
0x18: {  	s0 =	sld [smem:$0x3F9E];
	_ =	swait.ge [sflag:s4], $0x0  }
0x19: {  	s7 =	sld [smem:$0x3F9F]  }
0x1a: {  	s8 =	sadd.s32 $0xFFFFE003, lr  }
0x1b: {  	s9 =	sadd.s32 $0xFFFFFEF7, lr;
	s5 =	simm.s32 $0xFFFFFFFF;
	p2 =	slt.u32 s8, $0xFFFFF086  }
0x1c: {  	p1 =	slt.u32 s9, $0xF7A;
	s5 =	simm.s32 @!p2 $0x0  }
0x1d: {  	s5 =	simm.s32 @p1 $0x1;
	p0 =	seq.s32 s7, s2  }
0x1e: {  	s7 =	smul.u32 @!p0 $0xF7A, s2;
	p2 =	seq.s32 @!p0 s5, $0x0  }
0x1f: {  	s9 =	smul.u32 $0xF7A, s1;
	s8 =	simm.s32 @!p0 $0x1BF5;
	p2 =	por !p2, p0  }
0x20: {  	[sflag:s8] =	ssyncset.s32 @!p0 $0xFFFFF086;
	s6 =	sadd.s32 @!p0 s3, s7;
	s7 =	simm.s32 @!p0 $0x108  }
0x21: {  	s3 =	sadd.s32 s3, s9;
	s6 =	sadd.s32 @!p0 $0x88, s6;
	s7 =	simm.s32 @p2 $0x1082  }
0x22: {  	[simem:s7], [sflag:s8] =	dma.local @!p0 [hbm:s6], $0xF7A  }
0x23: {  	s9 =	sor.u32 $0xD0000000, s2;
	s6 =	simm.s32 $0x108;
	_ =	swait.ge @!p0 [sflag:s8], $0x0  }
0x24: {  	s3 =	sadd.s32 $0x88, s3;
	s6 =	simm.s32 @!p1 $0x1082;
	[sflag:s4] =	ssyncset.s32 $0xFFFFF086  }
0x25: {  	[simem:s6], [sflag:s4] =	dma.local [hbm:s3], $0xF7A  }
0x26: {  	[smem:$0x3F9F] =	sst s1;
	(tag) =	ssettag s2;
	_ =	strace s9  }
0x27: {  	s1 =	sld [smem:$0x3FAF]  }
0x28: {  	s2 =	sld [smem:$0x3FB0]  }
0x29: {  	s4 =	sld [smem:$0x3FB2]  }
0x2a: {  	p0 =	seq.s32 s5, $0x0;
	s5 =	sld [smem:$0x3FB3]  }
0x2b: {  	s6 =	sld [smem:$0x3FB4]  }
0x2c: {  	s7 =	sld [smem:$0x3FB5]  }
0x2d: {  	s3 =	simm.s32 $0x108;
	s8 =	sld [smem:$0x3FB6]  }
0x2e: {  	s3 =	simm.s32 @!p0 $0x1082;
	s9 =	sld [smem:$0x3FB7]  }
0x2f: {  	lr =	sadd.s32 s0, s3;
	s0 =	sld [smem:$0x3FAE]  }
0x30: {  	s3 =	sld [smem:$0x3FB1]  }
0x31: {  	[smem:$0x3FBA] =	sst s10  }
0x32: {  	s10 =	sld [smem:$0x3FB8];
	_ =	sdelay $0x3  }
0x33: {  	p0 =	seq.s32 s10, $0x1;
	s10 =	sld [smem:$0x3FBA];
	_ =	sdelay $0x3  }
0x34: {  	[smem:$0x3FBA] =	sst s10  }
0x35: {  	s10 =	sld [smem:$0x3FB9];
	_ =	sdelay $0x3  }
0x36: {  	p1 =	seq.s32 s10, $0x1;
	s10 =	sld [smem:$0x3FBA];
	_ =	sdelay $0x3  }
0x37: {  	[smem:$0x3FBA] =	sst s10  }
0x38: {  	s10 =	sld [smem:$0x3FBB]  }
0x39: {  	_ = 	snop;
	(pc) =	sbr.ind lr, $3  }
0x3a: {  	_ = 	snop  }
0x3b: {  	_ = 	snop  }
0x3c: {  	p2 =	seq.s32 s10, $0x1;
	s10 =	sld [smem:$0x3FBA]  }
0x3d: {  	_ =	shalt  }
0x3e: {  	_ =	shalt  }
0x3f: {  	_ =	shalt  }
0x40: {  	_ =	shalt  }
0x41: {  	_ =	shalt  }
0x42: {  	_ =	shalt  }
0x43: {  	_ =	shalt  }
0x44: {  	_ =	shalt  }
0x45: {  	_ =	shalt  }
0x46: {  	_ =	shalt  }
0x47: {  	_ =	shalt  }
0x48: {  	_ =	shalt  }
0x49: {  	_ =	shalt  }
0x4a: {  	_ =	shalt  }
0x4b: {  	_ =	shalt  }
0x4c: {  	_ =	shalt  }
0x4d: {  	_ =	shalt  }
0x4e: {  	_ =	shalt  }
0x4f: {  	_ =	shalt  }
0x50: {  	_ =	shalt  }
0x51: {  	_ =	shalt  }
0x52: {  	_ =	shalt  }
0x53: {  	_ =	shalt  }
0x54: {  	_ =	shalt  }
0x55: {  	_ =	shalt  }
0x56: {  	_ =	shalt  }
0x57: {  	_ =	shalt  }
0x58: {  	_ =	shalt  }
0x59: {  	_ =	shalt  }
0x5a: {  	_ =	shalt  }
0x5b: {  	_ =	shalt  }
0x5c: {  	_ =	shalt  }
0x5d: {  	_ =	shalt  }
0x5e: {  	_ =	shalt  }
0x5f: {  	_ =	shalt  }
0x60: {  	_ =	shalt  }
0x61: {  	_ =	shalt  }
0x62: {  	_ =	shalt  }
0x63: {  	_ =	shalt  }
0x64: {  	_ =	shalt  }
0x65: {  	_ =	shalt  }
0x66: {  	_ =	shalt  }
0x67: {  	_ =	shalt  }
0x68: {  	_ =	shalt  }
0x69: {  	_ =	shalt  }
0x6a: {  	_ =	shalt  }
0x6b: {  	_ =	shalt  }
0x6c: {  	_ =	shalt  }
0x6d: {  	_ =	shalt  }
0x6e: {  	_ =	shalt  }
0x6f: {  	_ =	shalt  }
0x70: {  	_ =	shalt  }
0x71: {  	_ =	shalt  }
0x72: {  	_ =	shalt  }
0x73: {  	_ =	shalt  }
0x74: {  	_ =	shalt  }
0x75: {  	_ =	shalt  }
0x76: {  	_ =	shalt  }
0x77: {  	_ =	shalt  }
0x78: {  	_ =	shalt  }
0x79: {  	_ =	shalt  }
0x7a: {  	_ =	shalt  }
0x7b: {  	_ =	shalt  }
0x7c: {  	_ =	shalt  }
0x7d: {  	_ =	shalt  }
0x7e: {  	_ =	shalt  }
0x7f: {  	_ =	shalt  }
0x80: {  	_ =	shalt  }
0x81: {  	_ =	shalt  }
0x82: {  	_ =	shalt  }
0x83: {  	_ =	shalt  }
0x84: {  	_ =	shalt  }
0x85: {  	_ =	shalt  }
0x86: {  	_ =	shalt  }
0x87: {  	_ =	shalt  }
.Lfunc_end0:
.L_simem_size_0:
called_computation_lowered:
.L_overlay_start_0:
0x88: {  	s2 =	sld [smem:$0x3FD9]  }
0x89: {  	s3 =	sld [smem:$0x3FFE];
	_ =	sdelay $0x1  }
0x8a: {  	s1 =	srdreg.scid  }
0x8b: {  	s0 =	sand.u32 $0x1, s1  }
0x8c: {  	s14 =	sshll.u32 s0, $0xA;
	s2 =	sadd.s32 s3, s2  }
0x8d: {  	s2 =	sadd.s32 s2, s14  }
0x8e: {  	[smem:$0x3FC6] =	sst s2  }
0x8f: {  	_ = 	snop  }
0x90: {  	s2 =	sld [smem:$0x3FD0];
	_ =	sdelay $0x2  }
0x91: {  	s4 =	simm.s32 $0xA;
	s5 =	simm.s32 $0x10;
	s15 =	sld [smem:$0x3FC8]  }
0x92: {  	[smem:s5], [sflag:s4] =	dma.local [hbm:s2], $0x1  }
0x93: {  	_ =	swait.eq [sflag:s4], $0x1  }
0x94: {  	[sflag:s4] =	ssyncset.done $0x0  }
0x95: {  	[sflag:s4] =	ssyncadd.s32 $0xFFFFFFFF  }
0x96: {  	s16 =	sld [smem:$0x11];
	(tm) =	ssettm $0x1  }
0x97: {  	s17 =	sld [smem:$0x3FFB];
	_ =	sdelay $0x3  }
0x98: {  	_ =	strace s17  }
0x99: {  	s4 =	sld [smem:$0x3FFC];
	_ =	sdelay $0x3  }
0x9a: {  	_ =	strace s4  }
0x9b: {  	s4 =	sld [smem:$0x3FFD];
	_ =	sdelay $0x3  }
0x9c: {  	_ =	strace s4  }
0x9d: {  	_ =	strace $0x8FFFFFFF  }
0x9e: {  	s18 =	sld [smem:$0x3FDB];
	_ =	sdelay $0x1  }
0x9f: {  	s19 =	simm.s32 $_scs_section_size  }
0xa0: {  	s6 =	simm.s32 $_size__tile_overlayer_lowered;
	s7 =	simm.s32 $_tile_overlayer_lowered  }
0xa1: {  	s22 =	simm.s32 $0x1BFF;
	s21 =	sshll.u32 s7, $0x1;
	s4 =	sadd.s32 s19, s18  }
0xa2: {  	s8 =	simm.s32 $0x0;
	s20 =	sshll.u32 s6, $0x1;
	s6 =	sadd.s32 s21, s4  }
0xa3: {  	[timem:s8], [sflag:s22] =	dma.local [hbm:s6], s20  }
0xa4: {  	_ =	swait.ge [sflag:s22], s20  }
0xa5: {  	s5 =	ssub.s32 $0x0, s20;
	[sflag:s22] =	ssyncset.done $0x0  }
0xa6: {  	[sflag:s22] =	ssyncadd.s32 s5;
	_ =	sdelay $0x1  }
0xa7: {  	s23 =	simm.s32 $0x1B8B  }
0xa8: {  	_ =	swait.ge [sflag:s23], $0x1  }
0xa9: {  	[sflag:s23] =	ssyncset.done $0x0  }
0xaa: {  	s25 =	simm.s32 $0x1B8E;
	s24 =	sld [smem:$0x3FFE];
	[sflag:s23] =	ssyncadd.s32 $0xFFFFFFFF  }
0xab: {  	s26 =	simm.s32 $execute0_lowered;
	[smem:$0x3FD2] =	sst s25  }
0xac: {  	s6 =	sshll.u32 s26, $0x1;
	_ =	strace $0x80000046;
	[dreg:$0x1] =	wrdreg $0xFFFFFFFF  }
0xad: {  	s28 =	simm.s32 $_size_execute0_lowered;
	s4 =	sadd.s32 s4, s6;
	[dreg:$0x0] =	wrdreg $0x0  }
0xae: {  	s6 =	sshll.u32 s28, $0x1;
	[dreg:$0x2] =	wrdreg s4  }
0xaf: {  	[dreg:$0x3] =	wrdreg s6  }
0xb0: {  	[dreg:$0x4] =	wrdreg $0xC0  }
0xb1: {  	_ =	task [dreg:s8], $0x5FFFF  }
0xb2: {  	[dreg:$0x1] =	wrdreg $0xFFFFFFFF  }
0xb3: {  	[dreg:$0x0] =	wrdreg $0x60  }
0xb4: {  	[dreg:$0x2] =	wrdreg s24  }
0xb5: {  	[dreg:$0x3] =	wrdreg s15  }
0xb6: {  	[dreg:$0x4] =	wrdreg s16  }
0xb7: {  	[dreg:$0x5] =	wrdreg $0xA0000  }
0xb8: {  	[dreg:$0x6] =	wrdreg $0x9  }
0xb9: {  	_ =	task.clear_ibuf [dreg:s8], $0x7FFFF;
	_ =	strace $0x90000046  }
0xba: {  	s29 =	simm.s32 $0x9;
	_ =	strace $0x80000048  }
0xbb: {  	_ =	swait.ge [sflag:s29], $0x1  }
0xbc: {  	[sflag:s29] =	ssyncadd.s32 $0xFFFFFFFF  }
0xbd: {  	_ =	strace $0x90000048  }
0xbe: {  	_ =	sfence  }
0xbf: {  	s30 =	sld [smem:$0x0];
	_ =	sdelay $0x2  }
0xc0: {  	s31 =	sshll.u32 s1, $0xD;
	s1 =	sshrl.u32 s1, $0x2  }
0xc1: {  	s3 =	sand.u32 $0x4000, s31;
	s1 =	sadd.s32 s1, s30  }
0xc2: {  	s0 =	sor.u32 s3, s0;
	s1 =	sshll.u32 s1, $0x11  }
0xc3: {  	s0 =	sor.u32 s1, s0  }
0xc4: {  	s0 =	sadd.s32 $0x8F2B, s0  }
0xc5: {  	[sflag:s0] =	ssyncadd.remote.s32 $0x1  }
0xc6: {  	_ =	sfence.sel $0xFFFF  }
0xc7: {  	[dreg:$0x0] =	wrdreg $0xFFFFFFFF;
	(pc) =	sbr.abs _section_cstart, $3  }
0xc8: {  	[dreg:$0x1] =	wrdreg $0xFFFFFFFF  }
0xc9: {  	_ =	task.clear_ibuf [dreg:s8], $0x2FFFF;
	_ =	strace $0x9FFFFFFF  }
0xca: {  	(tm) =	ssettm $0x7FFFFFFF  }
0xcb: {  	_ =	shalt  }
tec
execute0_lowered:
.L_overlay_start_1:
0x0: {  	(tag) =	ssettag $0x1  }
0x1: {  	s0 =	rddreg [dreg:$0x0]  }
0x2: {  	s6 =	rddreg [dreg:$0x1]  }
0x3: {  	s7 =	rddreg [dreg:$0x2]  }
0x4: {  	s1 =	rddreg [dreg:$0x3];
	s2 =	simm.s32 $0x0;
	s3 =	srdreg.scid  }
0x5: {  	s9 =	stileid.u32;
	s13 =	simm.s32 $0x1000;
	s14 =	simm.s32 $0x80  }
0x6: {  	s19 =	simm.s32 $0x9D80;
	s20 =	simm.s32 $0x6800;
	s21 =	simm.s32 $0x9E00  }
0x7: {  	s22 =	simm.s32 $0x7000;
	s23 =	simm.s32 $0x9E80;
	s24 =	simm.s32 $0x7800  }
0x8: {  	s25 =	simm.s32 $0x9F00;
	s28 =	simm.s32 $0x9F80;
	s29 =	simm.s32 $0x8800  }
0x9: {  	s30 =	simm.s32 $0x0;
	[smem:$0x7FF] =	sst s2;
	s8 =	sand.u32 $0x1, s3  }
0xa: {  	s4 =	sshll.u32 s9, $0x8;
	p0 =	sne.s32 s9, $0x0;
	s9 =	simm.s32 $0x800  }
0xb: {  	s3 =	sshll.u32 s8, $0xC;
	s5 =	ssub.s32 $0x2, s8;
	_ =	strace $0x80000047  }
0xc: {  	s8 =	sshll.u32 s8, $0xA;
	s12 =	sshrl.u32 @!p0 s1, $0x3;
	s10 =	sor.u32 s4, s3  }
0xd: {  	s26 =	sshrl.u32 s5, $0x1;
	s3 =	sadd.s32 $0x4800, s0;
	s7 =	sadd.s32 s7, s8  }
0xe: {  	v0 =	vlaneseq.u32;
	s11 =	sadd.s32 s10, s0;
	s31 =	ssub.s32 s5, s26;
	s6 =	sadd.s32 s6, s10  }
0xf: {  	v0 =	vmul.u32 $0x10, v0;
	s10 =	simm.s32 $0x9000;
	s26 =	simm.s32 $0x8000;
	s4 =	sadd.s32 $0x800, s11  }
0x10: {  	v1 =	vimm.f32 $1.000000000e+00;
	s5 =	sadd.s32 $0x2800, s11;
	s8 =	smax.u32 s31, $0x1;
	s11 =	simm.s32 $0x1  }
.LBB2_1:
0x11: {  	[tilespmem:s2], [sflag:$0x1] =	stream.linear.gather [hbm4b:s4+s2], $0x800, $0x38;
	[tilespmem:$0xA200] =	vst v63  }
0x12: {  	_ = 	snop  }
0x13: {  	[tilespmem:s9], [sflag:$0x1] =	stream.linear.gather [hbm4b:s5+s2], $0x800, $0x38;
	[tilespmem:$0xA200] =	vst v63  }
0x14: {  	_ = 	snop  }
0x15: {  	[tilespmem:s10], [sflag:$0x1] =	stream.linear.gather [hbm4b:s6+s2], $0x800, $0x38;
	[tilespmem:$0xA200] =	vst v63  }
0x16: {  	_ =	swait.ge [sflag:s11], $0x800  }
0x17: {  	[sflag:s11] =	ssyncset.done $0x0  }
0x18: {  	[sflag:s11] =	ssyncadd.s32 $0xFFFFF800  }
0x19: {  	_ =	swait.ge [sflag:s11], $0x800  }
0x1a: {  	[sflag:s11] =	ssyncset.done $0x0  }
0x1b: {  	[sflag:s11] =	ssyncadd.s32 $0xFFFFF800  }
0x1c: {  	_ =	swait.ge [sflag:s11], $0x800  }
0x1d: {  	[sflag:s11] =	ssyncset.done $0x0  }
0x1e: {  	s0 =	simm.s32 @!p0 $0x1C02;
	[sflag:s11] =	ssyncadd.s32 $0xFFFFF800  }
0x1f: {  	[spmem:s12], [sflag:s0] =	dma.local @!p0 [hbm:s3], $0x400  }
0x20: {  	s0 =	simm.s32 @!p0 $0x2  }
0x21: {  	_ =	swait.ge @!p0 [sflag:s0], $0x400  }
0x22: {  	v2 =	vmov s2;
	[sflag:s0] =	ssyncset.done @!p0 $0x0  }
0x23: {  	v2 =	vshll.u32 v2, $0x4;
	[sflag:s0] =	ssyncadd.s32 @!p0 $0xFFFFFC00  }
0x24: {  	v2 =	vor.u32 v0, v2;
	v3 =	vld [tilespmem:s2+$0x0];
	_ =	sdelay $0x4  }
0x25: {  	[tilespmem:v2+s13+$0x0] =	vst.idx.msk $0xffff, v3  }
0x26: {  	v4 =	vor.u32 $0x1, v2;
	v3 =	vld [tilespmem:s9+$0x0]  }
0x27: {  	v2 =	vor.u32 $0x2, v2;
	_ =	sdelay $0x3  }
0x28: {  	[tilespmem:v4+s13+$0x0] =	vst.idx.msk $0xffff, v3  }
0x29: {  	[tilespmem:v2+s13+$0x0] =	vst.idx.msk $0xffff, v1  }
0x2a: {  	v3 =	vld [tilespmem:s10+$0x0];
	_ =	sdelay $0x2  }
0x2b: {  	s15 =	simm.s32 $0x10  }
0x2c: {  	s18 =	sand.u32 $0x7F0, s2;
	s17 =	simm.s32 $0x20;
	v2 =	vmov s15  }
0x2d: {  	s16 =	simm.s32 $0x800;
	s31 =	simm.s32 $0x10;
	s0 =	simm.s32 $0x9000;
	v2 =	vshll.u32 v2, $0x4;
	[tilespmem:s18+$0x9800] =	vst v3  }
.LBB2_2:
0x2e: {  	p1 =	sne.s32 s17, $0x7F0;
	v3 =	vld [tilespmem:s15+$0x0];
	v2 =	vor.u32 v0, v2;
	_ =	sdelay $0x4  }
0x2f: {  	s16 =	sadd.s32 $0x10, s16;
	[tilespmem:v2+s13+$0x0] =	vst.idx.msk $0xffff, v3  }
0x30: {  	v4 =	vor.u32 $0x1, v2;
	v3 =	vld [tilespmem:s16+$0x0]  }
0x31: {  	v2 =	vor.u32 $0x2, v2;
	_ =	sdelay $0x3  }
0x32: {  	[tilespmem:v4+s13+$0x0] =	vst.idx.msk $0xffff, v3  }
0x33: {  	s0 =	sadd.s32 $0x10, s0;
	[tilespmem:v2+s13+$0x0] =	vst.idx.msk $0xffff, v1  }
0x34: {  	v3 =	vld [tilespmem:s0+$0x0]  }
.Ltmp0:
0x35: {  	(pc) =	sbr.rel @p1 .LBB2_2-.Ltmp0, $3  }
0x36: {  	_ =	sdelay $0x1  }
0x37: {  	s18 =	sand.u32 $0x7F0, s31;
	s31 =	smov.u32 s17;
	v2 =	vmov s17  }
0x38: {  	s15 =	sadd.s32 $0x10, s15;
	s17 =	sadd.s32 $0x10, s17;
	v2 =	vshll.u32 v2, $0x4;
	[tilespmem:s18+$0x9800] =	vst v3  }
0x39: {  	v3 =	vld [tilespmem:s15+$0x0];
	v2 =	vor.u32 v0, v2;
	_ =	sdelay $0x4  }
0x3a: {  	s18 =	sadd.s32 $0x10, s16;
	[tilespmem:v2+s13+$0x0] =	vst.idx.msk $0xffff, v3  }
0x3b: {  	v4 =	vor.u32 $0x1, v2;
	v3 =	vld [tilespmem:s18+$0x0]  }
0x3c: {  	v2 =	vor.u32 $0x2, v2;
	_ =	sdelay $0x3  }
0x3d: {  	[tilespmem:v4+s13+$0x0] =	vst.idx.msk $0xffff, v3  }
0x3e: {  	s0 =	sadd.s32 $0x10, s0;
	[tilespmem:v2+s13+$0x0] =	vst.idx.msk $0xffff, v1  }
0x3f: {  	v2 =	vld [tilespmem:s0+$0x0];
	_ =	sdelay $0x3  }
0x40: {  	s31 =	sand.u32 $0x7F0, s31  }
0x41: {  	[tilespmem:s31+$0x9800] =	vst v2  }
0x42: {  	s15 =	simm.s32 $0x9800;
	[bflag:$0x0] =	sbarrier.arrive $0xFFFF  }
0x43: {  	[spmem:s1] =	stream.indirect.scatter.add.f32 [tilespmem:s13], [sflag:$0x1], $0x10, s15, s14, $0xb8;
	[tilespmem:$0xA200] =	vst v63  }
0x44: {  	s16 =	simm.s32 $0x9880;
	s17 =	simm.s32 $0x1800  }
0x45: {  	[spmem:s1] =	stream.indirect.scatter.add.f32 [tilespmem:s17], [sflag:$0x1], $0x10, s16, s14, $0xb8;
	[tilespmem:$0xA200] =	vst v63  }
0x46: {  	s18 =	simm.s32 $0x9900;
	s31 =	simm.s32 $0x2000  }
0x47: {  	[spmem:s1] =	stream.indirect.scatter.add.f32 [tilespmem:s31], [sflag:$0x1], $0x10, s18, s14, $0xb8;
	[tilespmem:$0xA200] =	vst v63  }
0x48: {  	s16 =	simm.s32 $0x9980;
	s17 =	simm.s32 $0x2800  }
0x49: {  	[spmem:s1] =	stream.indirect.scatter.add.f32 [tilespmem:s17], [sflag:$0x1], $0x10, s16, s14, $0xb8;
	[tilespmem:$0xA200] =	vst v63  }
0x4a: {  	s18 =	simm.s32 $0x9A00;
	s31 =	simm.s32 $0x3000  }
0x4b: {  	[spmem:s1] =	stream.indirect.scatter.add.f32 [tilespmem:s31], [sflag:$0x1], $0x10, s18, s14, $0xb8;
	[tilespmem:$0xA200] =	vst v63  }
0x4c: {  	s16 =	simm.s32 $0x9A80;
	s17 =	simm.s32 $0x3800  }
0x4d: {  	[spmem:s1] =	stream.indirect.scatter.add.f32 [tilespmem:s17], [sflag:$0x1], $0x10, s16, s14, $0xb8;
	[tilespmem:$0xA200] =	vst v63  }
0x4e: {  	s18 =	simm.s32 $0x9B00;
	s31 =	simm.s32 $0x4000  }
0x4f: {  	[spmem:s1] =	stream.indirect.scatter.add.f32 [tilespmem:s31], [sflag:$0x1], $0x10, s18, s14, $0xb8;
	[tilespmem:$0xA200] =	vst v63  }
0x50: {  	s16 =	simm.s32 $0x9B80;
	s17 =	simm.s32 $0x4800  }
0x51: {  	[spmem:s1] =	stream.indirect.scatter.add.f32 [tilespmem:s17], [sflag:$0x1], $0x10, s16, s14, $0xb8;
	[tilespmem:$0xA200] =	vst v63  }
0x52: {  	s18 =	simm.s32 $0x9C00;
	s31 =	simm.s32 $0x5000  }
0x53: {  	[spmem:s1] =	stream.indirect.scatter.add.f32 [tilespmem:s31], [sflag:$0x1], $0x10, s18, s14, $0xb8;
	[tilespmem:$0xA200] =	vst v63  }
0x54: {  	s16 =	simm.s32 $0x9C80;
	s17 =	simm.s32 $0x5800  }
0x55: {  	[spmem:s1] =	stream.indirect.scatter.add.f32 [tilespmem:s17], [sflag:$0x1], $0x10, s16, s14, $0xb8;
	[tilespmem:$0xA200] =	vst v63  }
0x56: {  	s18 =	simm.s32 $0x9D00;
	s31 =	simm.s32 $0x6000  }
0x57: {  	[spmem:s1] =	stream.indirect.scatter.add.f32 [tilespmem:s31], [sflag:$0x1], $0x10, s18, s14, $0xb8;
	[tilespmem:$0xA200] =	vst v63  }
0x58: {  	_ = 	snop  }
0x59: {  	[spmem:s1] =	stream.indirect.scatter.add.f32 [tilespmem:s20], [sflag:$0x1], $0x10, s19, s14, $0xb8;
	[tilespmem:$0xA200] =	vst v63  }
0x5a: {  	_ = 	snop  }
0x5b: {  	[spmem:s1] =	stream.indirect.scatter.add.f32 [tilespmem:s22], [sflag:$0x1], $0x10, s21, s14, $0xb8;
	[tilespmem:$0xA200] =	vst v63  }
0x5c: {  	_ = 	snop  }
0x5d: {  	[spmem:s1] =	stream.indirect.scatter.add.f32 [tilespmem:s24], [sflag:$0x1], $0x10, s23, s14, $0xb8;
	[tilespmem:$0xA200] =	vst v63  }
0x5e: {  	_ = 	snop  }
0x5f: {  	[spmem:s1] =	stream.indirect.scatter.add.f32 [tilespmem:s26], [sflag:$0x1], $0x10, s25, s14, $0xb8;
	[tilespmem:$0xA200] =	vst v63  }
0x60: {  	_ = 	snop  }
0x61: {  	[spmem:s1] =	stream.indirect.scatter.add.f32 [tilespmem:s29], [sflag:$0x1], $0x10, s28, s14, $0xb8;
	[tilespmem:$0xA200] =	vst v63  }
0x62: {  	_ =	swait.ge [sflag:s11], $0x800  }
0x63: {  	[sflag:s11] =	ssyncset.done $0x0  }
0x64: {  	[sflag:s11] =	ssyncadd.s32 $0xFFFFF800  }
0x65: {  	_ =	swait.ge [sflag:s11], $0x800  }
0x66: {  	[sflag:s11] =	ssyncset.done $0x0  }
0x67: {  	[sflag:s11] =	ssyncadd.s32 $0xFFFFF800  }
0x68: {  	_ =	swait.ge [sflag:s11], $0x800  }
0x69: {  	[sflag:s11] =	ssyncset.done $0x0  }
0x6a: {  	[sflag:s11] =	ssyncadd.s32 $0xFFFFF800  }
0x6b: {  	_ =	swait.ge [sflag:s11], $0x800  }
0x6c: {  	[sflag:s11] =	ssyncset.done $0x0  }
0x6d: {  	[sflag:s11] =	ssyncadd.s32 $0xFFFFF800  }
0x6e: {  	_ =	swait.ge [sflag:s11], $0x800  }
0x6f: {  	[sflag:s11] =	ssyncset.done $0x0  }
0x70: {  	[sflag:s11] =	ssyncadd.s32 $0xFFFFF800  }
0x71: {  	_ =	swait.ge [sflag:s11], $0x800  }
0x72: {  	[sflag:s11] =	ssyncset.done $0x0  }
0x73: {  	[sflag:s11] =	ssyncadd.s32 $0xFFFFF800  }
0x74: {  	_ =	swait.ge [sflag:s11], $0x800  }
0x75: {  	[sflag:s11] =	ssyncset.done $0x0  }
0x76: {  	[sflag:s11] =	ssyncadd.s32 $0xFFFFF800  }
0x77: {  	_ =	swait.ge [sflag:s11], $0x800  }
0x78: {  	[sflag:s11] =	ssyncset.done $0x0  }
0x79: {  	[sflag:s11] =	ssyncadd.s32 $0xFFFFF800  }
0x7a: {  	_ =	swait.ge [sflag:s11], $0x800  }
0x7b: {  	[sflag:s11] =	ssyncset.done $0x0  }
0x7c: {  	[sflag:s11] =	ssyncadd.s32 $0xFFFFF800  }
0x7d: {  	_ =	swait.ge [sflag:s11], $0x800  }
0x7e: {  	[sflag:s11] =	ssyncset.done $0x0  }
0x7f: {  	[sflag:s11] =	ssyncadd.s32 $0xFFFFF800  }
0x80: {  	_ =	swait.ge [sflag:s11], $0x800  }
0x81: {  	[sflag:s11] =	ssyncset.done $0x0  }
0x82: {  	[sflag:s11] =	ssyncadd.s32 $0xFFFFF800  }
0x83: {  	_ =	swait.ge [sflag:s11], $0x800  }
0x84: {  	[sflag:s11] =	ssyncset.done $0x0  }
0x85: {  	[sflag:s11] =	ssyncadd.s32 $0xFFFFF800  }
0x86: {  	_ =	swait.ge [sflag:s11], $0x800  }
0x87: {  	[sflag:s11] =	ssyncset.done $0x0  }
0x88: {  	[sflag:s11] =	ssyncadd.s32 $0xFFFFF800  }
0x89: {  	_ =	swait.ge [sflag:s11], $0x800  }
0x8a: {  	[sflag:s11] =	ssyncset.done $0x0  }
0x8b: {  	[sflag:s11] =	ssyncadd.s32 $0xFFFFF800  }
0x8c: {  	_ =	swait.ge [sflag:s11], $0x800  }
0x8d: {  	[sflag:s11] =	ssyncset.done $0x0  }
0x8e: {  	[sflag:s11] =	ssyncadd.s32 $0xFFFFF800  }
0x8f: {  	_ =	swait.ge [sflag:s11], $0x800  }
0x90: {  	[sflag:s11] =	ssyncset.done $0x0  }
0x91: {  	s30 =	sadd.s32 $0x1, s30;
	[sflag:s11] =	ssyncadd.s32 $0xFFFFF800  }
0x92: {  	p1 =	sne.s32 s30, s8;
	s0 =	simm.s32 @!p0 $0x1C02;
	[bflag:$0x0] =	sbarrier.arrive $0xFFFF  }
0x93: {  	[hbm:s7], [sflag:s0] =	dma.local @!p0 [spmem:s12], $0x400  }
.Ltmp1:
0x94: {  	_ = 	snop;
	(pc) =	sbr.rel @p1 .LBB2_1-.Ltmp1, $4  }
0x95: {  	s0 =	simm.s32 @!p0 $0x2  }
0x96: {  	_ =	swait.ge @!p0 [sflag:s0], $0x400  }
0x97: {  	[sflag:s0] =	ssyncset.done @!p0 $0x0  }
0x98: {  	[sflag:s0] =	ssyncadd.s32 @!p0 $0xFFFFFC00  }
0x99: {  	_ =	sfence.sel $0x180000  }
0x9a: {  	[bflag:$0x0] =	sbarrier.arrive $0xFFFF  }
0x9b: {  	_ =	strace $0x90000047  }
0x9c: {  	[bflag:$0x2] =	sbarrier.arrive $0xFFFF  }
0x9d: {  	s0 =	rddreg [dreg:$0x4]  }
0x9e: {  	s0 =	sadd.s32 @!p0 $0x100000, s0  }
0x9f: {  	[sflag:s0] =	ssyncadd.tile.s32 @!p0 $0x1;
	_ =	shalt  }
.Lfunc_end2:
_tile_overlayer_lowered:
.L_overlay_start_2:
0xa0: {  	(tag) =	ssettag $0x2  }
0xa1: {  	s0 =	rddreg [dreg:$0x0];
	s2 =	stileid.u32  }
0xa2: {  	s1 =	rddreg [dreg:$0x1];
	p0 =	sne.s32 s2, $0x0  }
0xa3: {  	s3 =	rddreg [dreg:$0x2];
	[bflag:$0x3] =	sbarrier.arrive $0xFFFF;
	s2 =	simm.s32 @!p0 $0x1C02  }
0xa4: {  	[timem:s3], [sflag:s2] =	dma.local @!p0 [hbm:s0], s1  }
0xa5: {  	s0 =	simm.s32 @!p0 $0x2  }
0xa6: {  	_ =	swait.ge @!p0 [sflag:s0], s1  }
0xa7: {  	s1 =	ssub.s32 @!p0 $0x0, s1;
	[sflag:s0] =	ssyncset.done @!p0 $0x0  }
0xa8: {  	[sflag:s0] =	ssyncadd.s32 @!p0 s1  }
0xa9: {  	[bflag:$0x3] =	sbarrier.arrive $0xFFFF  }
0xaa: {  	_ =	shalt  }

</sc_bundles>
